<compile_context>
chip_gen: v7x
topology: tpu7x:2x2x1
jax: 0.10.2.dev20260603
libtpu: 0.0.44.dev20260713+nightly
codegen_flags: <defaults>
</compile_context>

<pallas_src>
import functools

import jax
import jax.numpy as jnp
from jax import lax
from jax.experimental import pallas as pl
from jax.experimental.pallas import tpu as pltpu
from jax.experimental.pallas import tpu_sc as plsc

NC = 2
NS = 16
NW = NC * NS
L = 16


def _make_kernel(B, E, R, D):
    assert B % NW == 0
    bw = B // NW
    nchunk = bw // L
    mesh = plsc.VectorSubcoreMesh(core_axis_name="c", subcore_axis_name="s")

    @functools.partial(
        pl.kernel,
        out_type=(
            jax.ShapeDtypeStruct((B,), jnp.float32),
            jax.ShapeDtypeStruct((NW, L), jnp.float32),
        ),
        mesh=mesh,
        compiler_params=pltpu.CompilerParams(
            needs_layout_passes=False, use_tc_tiling_on_sc=False),
        scratch_types=[
            pltpu.VMEM((bw,), jnp.int32),
            pltpu.VMEM((bw,), jnp.int32),
            pltpu.VMEM((bw,), jnp.int32),
            pltpu.VMEM((bw, D), jnp.float32),
            pltpu.VMEM((bw, D), jnp.float32),
            pltpu.VMEM((bw, D), jnp.float32),
            pltpu.VMEM((bw,), jnp.float32),
            pltpu.VMEM((bw,), jnp.float32),
            pltpu.VMEM((L,), jnp.float32),
            pltpu.VMEM((L,), jnp.float32),
            pltpu.VMEM((L,), jnp.float32),
            pltpu.SemaphoreType.DMA,
            pltpu.SemaphoreType.DMA,
            pltpu.SemaphoreType.DMA,
        ],
    )
    def k(h_hbm, t_hbm, r_hbm, sc_hbm, ent_hbm, rel_hbm, w_hbm, b_hbm,
          preds_hbm, part_hbm,
          hi_v, ti_v, ri_v, he_v, te_v, re_v, sc_v, pr_v, w_v, b_v, acc_v,
          sem_h, sem_t, sem_r):
        wid = lax.axis_index("s") * NC + lax.axis_index("c")
        base = wid * bw

        pltpu.sync_copy(h_hbm.at[pl.ds(base, bw)], hi_v)
        pltpu.sync_copy(t_hbm.at[pl.ds(base, bw)], ti_v)
        pltpu.sync_copy(r_hbm.at[pl.ds(base, bw)], ri_v)
        cp_h = pltpu.async_copy(ent_hbm.at[hi_v], he_v, sem_h)
        cp_t = pltpu.async_copy(ent_hbm.at[ti_v], te_v, sem_t)
        cp_r = pltpu.async_copy(rel_hbm.at[ri_v], re_v, sem_r)
        pltpu.sync_copy(sc_hbm.at[pl.ds(base, bw)], sc_v)
        pltpu.sync_copy(w_hbm, w_v)
        pltpu.sync_copy(b_hbm, b_v)
        cp_h.wait()
        cp_t.wait()
        cp_r.wait()

        acc_v[...] = jnp.zeros((L,), jnp.float32)
        iota = lax.iota(jnp.int32, L)

        def chunk(c, carry):
            rows = c * L + iota
            x = jnp.zeros((L,), jnp.float32)
            for j in range(D):
                col = jnp.full((L,), j, jnp.int32)
                hv = plsc.load_gather(he_v, [rows, col])
                tv = plsc.load_gather(te_v, [rows, col])
                rv = plsc.load_gather(re_v, [rows, col])
                x = x + hv * tv * rv
            t = w_v[...] * x + b_v[...]
            p = 1.0 / (1.0 + jnp.exp(-t))
            pr_v[pl.ds(c * L, L)] = p
            d = p - sc_v[pl.ds(c * L, L)]
            acc_v[...] = acc_v[...] + d * d
            return carry

        lax.fori_loop(0, nchunk, chunk, 0)

        pltpu.sync_copy(pr_v, preds_hbm.at[pl.ds(base, bw)])
        pltpu.sync_copy(acc_v, part_hbm.at[wid])

    return k


def kernel(h, r, t, scores, ent_emb, rel_emb, w, b):
    B = h.shape[0]
    E, D = ent_emb.shape
    R = rel_emb.shape[0]
    h32 = h.astype(jnp.int32)
    t32 = t.astype(jnp.int32)
    r32 = r.astype(jnp.int32)
    w16 = jnp.broadcast_to(w.astype(jnp.float32), (L,))
    b16 = jnp.broadcast_to(b.astype(jnp.float32), (L,))
    k = _make_kernel(B, E, R, D)
    preds, partials = k(h32, t32, r32, scores, ent_emb, rel_emb, w16, b16)
    loss = jnp.sum(partials) / B
    return (preds, loss)

# --- scband reference (transcript-rebuilt; emitter-appended) ---
"""Pipeline reference for scband-ukge-17746804867858 (READ-ONLY COPY).

The authoritative reference and input builder live on the scoring server;
editing this copy changes nothing except your own understanding.
"""

import jax, jax.numpy as jnp
import numpy as np

NUM_ENTS = 1000000
NUM_RELS = 1000
NUM_DIM = 32
BATCH = 16384


def setup_inputs(seed: int = 0) -> dict:
    key = jax.random.key(seed)
    k1, k2, k3, k4, k5, k6 = jax.random.split(key, 6)
    h = jax.random.randint(k1, (BATCH,), 0, NUM_ENTS, dtype=jnp.int64 if jax.config.jax_enable_x64 else jnp.int32)
    r = jax.random.randint(k2, (BATCH,), 0, NUM_RELS, dtype=jnp.int64 if jax.config.jax_enable_x64 else jnp.int32)
    t = jax.random.randint(k3, (BATCH,), 0, NUM_ENTS, dtype=jnp.int64 if jax.config.jax_enable_x64 else jnp.int32)
    scores = jax.random.uniform(k4, (BATCH,), dtype=jnp.float32)
    ent_emb = jax.random.normal(k5, (NUM_ENTS, NUM_DIM), dtype=jnp.float32)
    rel_emb = jax.random.normal(k6, (NUM_RELS, NUM_DIM), dtype=jnp.float32)
    w = jnp.zeros((1,), dtype=jnp.float32)
    b = jnp.zeros((1,), dtype=jnp.float32)
    return {"h": h, "r": r, "t": t, "scores": scores, "ent_emb": ent_emb, "rel_emb": rel_emb, "w": w, "b": b}


def reference(h, r, t, scores, ent_emb, rel_emb, w, b):
    he = jnp.take(ent_emb, h, axis=0)
    te = jnp.take(ent_emb, t, axis=0)
    re = jnp.take(rel_emb, r, axis=0)
    x = (he * te * re).sum(axis=-1)
    # logistic mapping: 1 / (1 + e^{-(w*x + b)})
    preds = 1.0 / (1.0 + jnp.exp(-(w * x + b)))
    # MSE loss between preds and truth scores
    loss = jnp.mean((preds - scores) ** 2)
    return (preds, loss)

if __name__ == "__main__":
    import jax
    _d = setup_inputs()
    print(jax.jit(kernel)(*tuple(_d.values())))

</pallas_src>

<mosaic_0001>
#map = affine_map<(d0, d1) -> (0)>
#map1 = affine_map<(d0, d1) -> (0, 0)>
module attributes {stable_mosaic.version = 14 : i64} {
  func.func @k(%arg0: i32, %arg1: i32, %arg2: memref<16384xi32, #tpu.memory_space<hbm>>, %arg3: memref<16384xi32, #tpu.memory_space<hbm>>, %arg4: memref<16384xi32, #tpu.memory_space<hbm>>, %arg5: memref<16384xf32, #tpu.memory_space<hbm>>, %arg6: memref<1000000x32xf32, #tpu.memory_space<hbm>>, %arg7: memref<1000x32xf32, #tpu.memory_space<hbm>>, %arg8: memref<16xf32, #tpu.memory_space<hbm>>, %arg9: memref<16xf32, #tpu.memory_space<hbm>>, %arg10: memref<16384xf32, #tpu.memory_space<hbm>>, %arg11: memref<32x16xf32, #tpu.memory_space<hbm>>, %arg12: memref<512xi32, #tpu.memory_space<vmem>>, %arg13: memref<512xi32, #tpu.memory_space<vmem>>, %arg14: memref<512xi32, #tpu.memory_space<vmem>>, %arg15: memref<512x32xf32, #tpu.memory_space<vmem>>, %arg16: memref<512x32xf32, #tpu.memory_space<vmem>>, %arg17: memref<512x32xf32, #tpu.memory_space<vmem>>, %arg18: memref<512xf32, #tpu.memory_space<vmem>>, %arg19: memref<512xf32, #tpu.memory_space<vmem>>, %arg20: memref<16xf32, #tpu.memory_space<vmem>>, %arg21: memref<16xf32, #tpu.memory_space<vmem>>, %arg22: memref<16xf32, #tpu.memory_space<vmem>>, %arg23: memref<!tpu.dma_semaphore, #tpu.memory_space<semaphore_mem>>, %arg24: memref<!tpu.dma_semaphore, #tpu.memory_space<semaphore_mem>>, %arg25: memref<!tpu.dma_semaphore, #tpu.memory_space<semaphore_mem>>) attributes {dimension_semantics = [#tpu.dimension_semantics<core_parallel>, #tpu.dimension_semantics<subcore_parallel>], iteration_bounds = array<i64: 2, 16>, scalar_prefetch = 0 : i64, scratch_operands = 14 : i64, tpu.core_type = #tpu.core_type<sc_vector_subcore>, window_params = [{transform_indices = #map}, {transform_indices = #map}, {transform_indices = #map}, {transform_indices = #map}, {transform_indices = #map1}, {transform_indices = #map1}, {transform_indices = #map}, {transform_indices = #map}, {transform_indices = #map}, {transform_indices = #map1}]} {
    %mul3A = arith.constant 2 : i32
    %mul3A_0 = arith.muli %arg1, %mul3A : i32
    %add3A = arith.addi %mul3A_0, %arg0 : i32
    %mul3A_1 = arith.constant 512 : i32
    %mul3A_2 = arith.muli %add3A, %mul3A_1 : i32
    "tpu.region"() ({
      %run_scoped3A = tpu.sem_alloc : memref<!tpu.dma_semaphore, #tpu.memory_space<semaphore_mem>>
      %dma_start3A_26 = tpu.memref_slice %arg2[%mul3A_2] : memref<16384xi32, #tpu.memory_space<hbm>> -> memref<512xi32, #tpu.memory_space<hbm>>
      %dma_start3A_27 = tpu.memref_slice %arg2[%mul3A_2] : memref<16384xi32, #tpu.memory_space<hbm>> -> memref<512xi32, #tpu.memory_space<hbm>>
      tpu.enqueue_dma source(%dma_start3A_27 : memref<512xi32, #tpu.memory_space<hbm>>) target(%arg12 : memref<512xi32, #tpu.memory_space<vmem>>) target_semaphore(%run_scoped3A : memref<!tpu.dma_semaphore, #tpu.memory_space<semaphore_mem>>)
      %dma_wait3A_28 = tpu.memref_slice %arg2[%mul3A_2] : memref<16384xi32, #tpu.memory_space<hbm>> -> memref<512xi32, #tpu.memory_space<hbm>>
      %dma_wait3A_29 = tpu.memref_slice %arg2[%mul3A_2] : memref<16384xi32, #tpu.memory_space<hbm>> -> memref<512xi32, #tpu.memory_space<hbm>>
      tpu.wait_dma2 semaphore(%run_scoped3A : memref<!tpu.dma_semaphore, #tpu.memory_space<semaphore_mem>>) src(%dma_wait3A_29 : memref<512xi32, #tpu.memory_space<hbm>>) dst(%arg12 : memref<512xi32, #tpu.memory_space<vmem>>)
      tpu.yield
    }) : () -> ()
    "tpu.region"() ({
      %run_scoped3A = tpu.sem_alloc : memref<!tpu.dma_semaphore, #tpu.memory_space<semaphore_mem>>
      %dma_start3A_26 = tpu.memref_slice %arg3[%mul3A_2] : memref<16384xi32, #tpu.memory_space<hbm>> -> memref<512xi32, #tpu.memory_space<hbm>>
      %dma_start3A_27 = tpu.memref_slice %arg3[%mul3A_2] : memref<16384xi32, #tpu.memory_space<hbm>> -> memref<512xi32, #tpu.memory_space<hbm>>
      tpu.enqueue_dma source(%dma_start3A_27 : memref<512xi32, #tpu.memory_space<hbm>>) target(%arg13 : memref<512xi32, #tpu.memory_space<vmem>>) target_semaphore(%run_scoped3A : memref<!tpu.dma_semaphore, #tpu.memory_space<semaphore_mem>>)
      %dma_wait3A_28 = tpu.memref_slice %arg3[%mul3A_2] : memref<16384xi32, #tpu.memory_space<hbm>> -> memref<512xi32, #tpu.memory_space<hbm>>
      %dma_wait3A_29 = tpu.memref_slice %arg3[%mul3A_2] : memref<16384xi32, #tpu.memory_space<hbm>> -> memref<512xi32, #tpu.memory_space<hbm>>
      tpu.wait_dma2 semaphore(%run_scoped3A : memref<!tpu.dma_semaphore, #tpu.memory_space<semaphore_mem>>) src(%dma_wait3A_29 : memref<512xi32, #tpu.memory_space<hbm>>) dst(%arg13 : memref<512xi32, #tpu.memory_space<vmem>>)
      tpu.yield
    }) : () -> ()
    "tpu.region"() ({
      %run_scoped3A = tpu.sem_alloc : memref<!tpu.dma_semaphore, #tpu.memory_space<semaphore_mem>>
      %dma_start3A_26 = tpu.memref_slice %arg4[%mul3A_2] : memref<16384xi32, #tpu.memory_space<hbm>> -> memref<512xi32, #tpu.memory_space<hbm>>
      %dma_start3A_27 = tpu.memref_slice %arg4[%mul3A_2] : memref<16384xi32, #tpu.memory_space<hbm>> -> memref<512xi32, #tpu.memory_space<hbm>>
      tpu.enqueue_dma source(%dma_start3A_27 : memref<512xi32, #tpu.memory_space<hbm>>) target(%arg14 : memref<512xi32, #tpu.memory_space<vmem>>) target_semaphore(%run_scoped3A : memref<!tpu.dma_semaphore, #tpu.memory_space<semaphore_mem>>)
      %dma_wait3A_28 = tpu.memref_slice %arg4[%mul3A_2] : memref<16384xi32, #tpu.memory_space<hbm>> -> memref<512xi32, #tpu.memory_space<hbm>>
      %dma_wait3A_29 = tpu.memref_slice %arg4[%mul3A_2] : memref<16384xi32, #tpu.memory_space<hbm>> -> memref<512xi32, #tpu.memory_space<hbm>>
      tpu.wait_dma2 semaphore(%run_scoped3A : memref<!tpu.dma_semaphore, #tpu.memory_space<semaphore_mem>>) src(%dma_wait3A_29 : memref<512xi32, #tpu.memory_space<hbm>>) dst(%arg14 : memref<512xi32, #tpu.memory_space<vmem>>)
      tpu.yield
    }) : () -> ()
    %dma_start3A = arith.constant 0 : i32
    %dma_start3A_3 = arith.constant 0 : i32
    %dma_start3A_4 = tpu.memref_slice %arg6[%dma_start3A, %dma_start3A_3] : memref<1000000x32xf32, #tpu.memory_space<hbm>> -> memref<1000000x32xf32, #tpu.memory_space<hbm>>
    tpu.enqueue_indirect_dma source(%dma_start3A_4 : memref<1000000x32xf32, #tpu.memory_space<hbm>>) target(%arg15 : memref<512x32xf32, #tpu.memory_space<vmem>>) offsets(%arg12 : memref<512xi32, #tpu.memory_space<vmem>>) semaphore(%arg23 : memref<!tpu.dma_semaphore, #tpu.memory_space<semaphore_mem>>)
    %dma_start3A_5 = arith.constant 0 : i32
    %dma_start3A_6 = arith.constant 0 : i32
    %dma_start3A_7 = tpu.memref_slice %arg6[%dma_start3A_5, %dma_start3A_6] : memref<1000000x32xf32, #tpu.memory_space<hbm>> -> memref<1000000x32xf32, #tpu.memory_space<hbm>>
    tpu.enqueue_indirect_dma source(%dma_start3A_7 : memref<1000000x32xf32, #tpu.memory_space<hbm>>) target(%arg16 : memref<512x32xf32, #tpu.memory_space<vmem>>) offsets(%arg13 : memref<512xi32, #tpu.memory_space<vmem>>) semaphore(%arg24 : memref<!tpu.dma_semaphore, #tpu.memory_space<semaphore_mem>>)
    %dma_start3A_8 = arith.constant 0 : i32
    %dma_start3A_9 = arith.constant 0 : i32
    %dma_start3A_10 = tpu.memref_slice %arg7[%dma_start3A_8, %dma_start3A_9] : memref<1000x32xf32, #tpu.memory_space<hbm>> -> memref<1000x32xf32, #tpu.memory_space<hbm>>
    tpu.enqueue_indirect_dma source(%dma_start3A_10 : memref<1000x32xf32, #tpu.memory_space<hbm>>) target(%arg17 : memref<512x32xf32, #tpu.memory_space<vmem>>) offsets(%arg14 : memref<512xi32, #tpu.memory_space<vmem>>) semaphore(%arg25 : memref<!tpu.dma_semaphore, #tpu.memory_space<semaphore_mem>>)
    "tpu.region"() ({
      %run_scoped3A = tpu.sem_alloc : memref<!tpu.dma_semaphore, #tpu.memory_space<semaphore_mem>>
      %dma_start3A_26 = tpu.memref_slice %arg5[%mul3A_2] : memref<16384xf32, #tpu.memory_space<hbm>> -> memref<512xf32, #tpu.memory_space<hbm>>
      %dma_start3A_27 = tpu.memref_slice %arg5[%mul3A_2] : memref<16384xf32, #tpu.memory_space<hbm>> -> memref<512xf32, #tpu.memory_space<hbm>>
      tpu.enqueue_dma source(%dma_start3A_27 : memref<512xf32, #tpu.memory_space<hbm>>) target(%arg18 : memref<512xf32, #tpu.memory_space<vmem>>) target_semaphore(%run_scoped3A : memref<!tpu.dma_semaphore, #tpu.memory_space<semaphore_mem>>)
      %dma_wait3A_28 = tpu.memref_slice %arg5[%mul3A_2] : memref<16384xf32, #tpu.memory_space<hbm>> -> memref<512xf32, #tpu.memory_space<hbm>>
      %dma_wait3A_29 = tpu.memref_slice %arg5[%mul3A_2] : memref<16384xf32, #tpu.memory_space<hbm>> -> memref<512xf32, #tpu.memory_space<hbm>>
      tpu.wait_dma2 semaphore(%run_scoped3A : memref<!tpu.dma_semaphore, #tpu.memory_space<semaphore_mem>>) src(%dma_wait3A_29 : memref<512xf32, #tpu.memory_space<hbm>>) dst(%arg18 : memref<512xf32, #tpu.memory_space<vmem>>)
      tpu.yield
    }) : () -> ()
    "tpu.region"() ({
      %run_scoped3A = tpu.sem_alloc : memref<!tpu.dma_semaphore, #tpu.memory_space<semaphore_mem>>
      tpu.enqueue_dma source(%arg8 : memref<16xf32, #tpu.memory_space<hbm>>) target(%arg20 : memref<16xf32, #tpu.memory_space<vmem>>) target_semaphore(%run_scoped3A : memref<!tpu.dma_semaphore, #tpu.memory_space<semaphore_mem>>)
      tpu.wait_dma2 semaphore(%run_scoped3A : memref<!tpu.dma_semaphore, #tpu.memory_space<semaphore_mem>>) src(%arg8 : memref<16xf32, #tpu.memory_space<hbm>>) dst(%arg20 : memref<16xf32, #tpu.memory_space<vmem>>)
      tpu.yield
    }) : () -> ()
    "tpu.region"() ({
      %run_scoped3A = tpu.sem_alloc : memref<!tpu.dma_semaphore, #tpu.memory_space<semaphore_mem>>
      tpu.enqueue_dma source(%arg9 : memref<16xf32, #tpu.memory_space<hbm>>) target(%arg21 : memref<16xf32, #tpu.memory_space<vmem>>) target_semaphore(%run_scoped3A : memref<!tpu.dma_semaphore, #tpu.memory_space<semaphore_mem>>)
      tpu.wait_dma2 semaphore(%run_scoped3A : memref<!tpu.dma_semaphore, #tpu.memory_space<semaphore_mem>>) src(%arg9 : memref<16xf32, #tpu.memory_space<hbm>>) dst(%arg21 : memref<16xf32, #tpu.memory_space<vmem>>)
      tpu.yield
    }) : () -> ()
    %dma_wait3A = arith.constant 0 : i32
    %dma_wait3A_11 = arith.constant 0 : i32
    %dma_wait3A_12 = tpu.memref_slice %arg6[%dma_wait3A, %dma_wait3A_11] : memref<1000000x32xf32, #tpu.memory_space<hbm>> -> memref<1000000x32xf32, #tpu.memory_space<hbm>>
    tpu.wait_indirect_dma semaphore(%arg23 : memref<!tpu.dma_semaphore, #tpu.memory_space<semaphore_mem>>) src(%dma_wait3A_12 : memref<1000000x32xf32, #tpu.memory_space<hbm>>) dst(%arg15 : memref<512x32xf32, #tpu.memory_space<vmem>>)
    %dma_wait3A_13 = arith.constant 0 : i32
    %dma_wait3A_14 = arith.constant 0 : i32
    %dma_wait3A_15 = tpu.memref_slice %arg6[%dma_wait3A_13, %dma_wait3A_14] : memref<1000000x32xf32, #tpu.memory_space<hbm>> -> memref<1000000x32xf32, #tpu.memory_space<hbm>>
    tpu.wait_indirect_dma semaphore(%arg24 : memref<!tpu.dma_semaphore, #tpu.memory_space<semaphore_mem>>) src(%dma_wait3A_15 : memref<1000000x32xf32, #tpu.memory_space<hbm>>) dst(%arg16 : memref<512x32xf32, #tpu.memory_space<vmem>>)
    %dma_wait3A_16 = arith.constant 0 : i32
    %dma_wait3A_17 = arith.constant 0 : i32
    %dma_wait3A_18 = tpu.memref_slice %arg7[%dma_wait3A_16, %dma_wait3A_17] : memref<1000x32xf32, #tpu.memory_space<hbm>> -> memref<1000x32xf32, #tpu.memory_space<hbm>>
    tpu.wait_indirect_dma semaphore(%arg25 : memref<!tpu.dma_semaphore, #tpu.memory_space<semaphore_mem>>) src(%dma_wait3A_18 : memref<1000x32xf32, #tpu.memory_space<hbm>>) dst(%arg17 : memref<512x32xf32, #tpu.memory_space<vmem>>)
    %broadcast_in_dim3A = arith.constant 0.000000e+00 : f32
    %broadcast_in_dim3A_19 = vector.broadcast %broadcast_in_dim3A : f32 to vector<16xf32>
    %swap3A = arith.constant 0 : index
    %swap3A_20 = tpu.vector_load %arg22[%swap3A] {strides = array<i32>} : memref<16xf32, #tpu.memory_space<vmem>>, vector<16xf32>,
    tpu.vector_store %arg22[%swap3A], %broadcast_in_dim3A_19 {strides = array<i32>} : memref<16xf32, #tpu.memory_space<vmem>>, vector<16xf32>,
    %iota3A = tpu.iota {dimensions = array<i32: 0>} : vector<16xi32>
    %scan3A = arith.constant 0 : i32
    %scan3A_21 = arith.constant 0 : i32
    %scan3A_22 = arith.constant 32 : i32
    %scan3A_23 = arith.addi %scan3A_21, %scan3A_22 : i32
    %scan3A_24 = arith.constant 1 : i32
    scf.for %scan3A_26 = %scan3A_21 to %scan3A_23 step %scan3A_24  : i32 {
      %mul3A_27 = arith.constant 16 : i32
      %mul3A_28 = arith.muli %scan3A_26, %mul3A_27 : i32
      %add3A_29 = vector.broadcast %mul3A_28 : i32 to vector<16xi32>
      %add3A_30 = arith.addi %add3A_29, %iota3A : vector<16xi32>
      %broadcast_in_dim3A_31 = arith.constant 0.000000e+00 : f32
      %broadcast_in_dim3A_32 = vector.broadcast %broadcast_in_dim3A_31 : f32 to vector<16xf32>
      %broadcast_in_dim3A_33 = arith.constant 0 : i32
      %broadcast_in_dim3A_34 = vector.broadcast %broadcast_in_dim3A_33 : i32 to vector<16xi32>
      %gather3A = tpu.vector_load_idx %arg15[%add3A_30, %broadcast_in_dim3A_34] : memref<512x32xf32, #tpu.memory_space<vmem>>[vector<16xi32>, vector<16xi32>], vector<16xf32>,
      %gather3A_35 = tpu.vector_load_idx %arg16[%add3A_30, %broadcast_in_dim3A_34] : memref<512x32xf32, #tpu.memory_space<vmem>>[vector<16xi32>, vector<16xi32>], vector<16xf32>,
      %gather3A_36 = tpu.vector_load_idx %arg17[%add3A_30, %broadcast_in_dim3A_34] : memref<512x32xf32, #tpu.memory_space<vmem>>[vector<16xi32>, vector<16xi32>], vector<16xf32>,
      %mul3A_37 = arith.mulf %gather3A, %gather3A_35 : vector<16xf32>
      %mul3A_38 = arith.mulf %mul3A_37, %gather3A_36 : vector<16xf32>
      %add3A_39 = arith.addf %broadcast_in_dim3A_32, %mul3A_38 : vector<16xf32>
      %broadcast_in_dim3A_40 = arith.constant 1 : i32
      %broadcast_in_dim3A_41 = vector.broadcast %broadcast_in_dim3A_40 : i32 to vector<16xi32>
      %gather3A_42 = tpu.vector_load_idx %arg15[%add3A_30, %broadcast_in_dim3A_41] : memref<512x32xf32, #tpu.memory_space<vmem>>[vector<16xi32>, vector<16xi32>], vector<16xf32>,
      %gather3A_43 = tpu.vector_load_idx %arg16[%add3A_30, %broadcast_in_dim3A_41] : memref<512x32xf32, #tpu.memory_space<vmem>>[vector<16xi32>, vector<16xi32>], vector<16xf32>,
      %gather3A_44 = tpu.vector_load_idx %arg17[%add3A_30, %broadcast_in_dim3A_41] : memref<512x32xf32, #tpu.memory_space<vmem>>[vector<16xi32>, vector<16xi32>], vector<16xf32>,
      %mul3A_45 = arith.mulf %gather3A_42, %gather3A_43 : vector<16xf32>
      %mul3A_46 = arith.mulf %mul3A_45, %gather3A_44 : vector<16xf32>
      %add3A_47 = arith.addf %add3A_39, %mul3A_46 : vector<16xf32>
      %broadcast_in_dim3A_48 = arith.constant 2 : i32
      %broadcast_in_dim3A_49 = vector.broadcast %broadcast_in_dim3A_48 : i32 to vector<16xi32>
      %gather3A_50 = tpu.vector_load_idx %arg15[%add3A_30, %broadcast_in_dim3A_49] : memref<512x32xf32, #tpu.memory_space<vmem>>[vector<16xi32>, vector<16xi32>], vector<16xf32>,
      %gather3A_51 = tpu.vector_load_idx %arg16[%add3A_30, %broadcast_in_dim3A_49] : memref<512x32xf32, #tpu.memory_space<vmem>>[vector<16xi32>, vector<16xi32>], vector<16xf32>,
      %gather3A_52 = tpu.vector_load_idx %arg17[%add3A_30, %broadcast_in_dim3A_49] : memref<512x32xf32, #tpu.memory_space<vmem>>[vector<16xi32>, vector<16xi32>], vector<16xf32>,
      %mul3A_53 = arith.mulf %gather3A_50, %gather3A_51 : vector<16xf32>
      %mul3A_54 = arith.mulf %mul3A_53, %gather3A_52 : vector<16xf32>
      %add3A_55 = arith.addf %add3A_47, %mul3A_54 : vector<16xf32>
      %broadcast_in_dim3A_56 = arith.constant 3 : i32
      %broadcast_in_dim3A_57 = vector.broadcast %broadcast_in_dim3A_56 : i32 to vector<16xi32>
      %gather3A_58 = tpu.vector_load_idx %arg15[%add3A_30, %broadcast_in_dim3A_57] : memref<512x32xf32, #tpu.memory_space<vmem>>[vector<16xi32>, vector<16xi32>], vector<16xf32>,
      %gather3A_59 = tpu.vector_load_idx %arg16[%add3A_30, %broadcast_in_dim3A_57] : memref<512x32xf32, #tpu.memory_space<vmem>>[vector<16xi32>, vector<16xi32>], vector<16xf32>,
      %gather3A_60 = tpu.vector_load_idx %arg17[%add3A_30, %broadcast_in_dim3A_57] : memref<512x32xf32, #tpu.memory_space<vmem>>[vector<16xi32>, vector<16xi32>], vector<16xf32>,
      %mul3A_61 = arith.mulf %gather3A_58, %gather3A_59 : vector<16xf32>
      %mul3A_62 = arith.mulf %mul3A_61, %gather3A_60 : vector<16xf32>
      %add3A_63 = arith.addf %add3A_55, %mul3A_62 : vector<16xf32>
      %broadcast_in_dim3A_64 = arith.constant 4 : i32
      %broadcast_in_dim3A_65 = vector.broadcast %broadcast_in_dim3A_64 : i32 to vector<16xi32>
      %gather3A_66 = tpu.vector_load_idx %arg15[%add3A_30, %broadcast_in_dim3A_65] : memref<512x32xf32, #tpu.memory_space<vmem>>[vector<16xi32>, vector<16xi32>], vector<16xf32>,
      %gather3A_67 = tpu.vector_load_idx %arg16[%add3A_30, %broadcast_in_dim3A_65] : memref<512x32xf32, #tpu.memory_space<vmem>>[vector<16xi32>, vector<16xi32>], vector<16xf32>,
      %gather3A_68 = tpu.vector_load_idx %arg17[%add3A_30, %broadcast_in_dim3A_65] : memref<512x32xf32, #tpu.memory_space<vmem>>[vector<16xi32>, vector<16xi32>], vector<16xf32>,
      %mul3A_69 = arith.mulf %gather3A_66, %gather3A_67 : vector<16xf32>
      %mul3A_70 = arith.mulf %mul3A_69, %gather3A_68 : vector<16xf32>
      %add3A_71 = arith.addf %add3A_63, %mul3A_70 : vector<16xf32>
      %broadcast_in_dim3A_72 = arith.constant 5 : i32
      %broadcast_in_dim3A_73 = vector.broadcast %broadcast_in_dim3A_72 : i32 to vector<16xi32>
      %gather3A_74 = tpu.vector_load_idx %arg15[%add3A_30, %broadcast_in_dim3A_73] : memref<512x32xf32, #tpu.memory_space<vmem>>[vector<16xi32>, vector<16xi32>], vector<16xf32>,
      %gather3A_75 = tpu.vector_load_idx %arg16[%add3A_30, %broadcast_in_dim3A_73] : memref<512x32xf32, #tpu.memory_space<vmem>>[vector<16xi32>, vector<16xi32>], vector<16xf32>,
      %gather3A_76 = tpu.vector_load_idx %arg17[%add3A_30, %broadcast_in_dim3A_73] : memref<512x32xf32, #tpu.memory_space<vmem>>[vector<16xi32>, vector<16xi32>], vector<16xf32>,
      %mul3A_77 = arith.mulf %gather3A_74, %gather3A_75 : vector<16xf32>
      %mul3A_78 = arith.mulf %mul3A_77, %gather3A_76 : vector<16xf32>
      %add3A_79 = arith.addf %add3A_71, %mul3A_78 : vector<16xf32>
      %broadcast_in_dim3A_80 = arith.constant 6 : i32
      %broadcast_in_dim3A_81 = vector.broadcast %broadcast_in_dim3A_80 : i32 to vector<16xi32>
      %gather3A_82 = tpu.vector_load_idx %arg15[%add3A_30, %broadcast_in_dim3A_81] : memref<512x32xf32, #tpu.memory_space<vmem>>[vector<16xi32>, vector<16xi32>], vector<16xf32>,
      %gather3A_83 = tpu.vector_load_idx %arg16[%add3A_30, %broadcast_in_dim3A_81] : memref<512x32xf32, #tpu.memory_space<vmem>>[vector<16xi32>, vector<16xi32>], vector<16xf32>,
      %gather3A_84 = tpu.vector_load_idx %arg17[%add3A_30, %broadcast_in_dim3A_81] : memref<512x32xf32, #tpu.memory_space<vmem>>[vector<16xi32>, vector<16xi32>], vector<16xf32>,
      %mul3A_85 = arith.mulf %gather3A_82, %gather3A_83 : vector<16xf32>
      %mul3A_86 = arith.mulf %mul3A_85, %gather3A_84 : vector<16xf32>
      %add3A_87 = arith.addf %add3A_79, %mul3A_86 : vector<16xf32>
      %broadcast_in_dim3A_88 = arith.constant 7 : i32
      %broadcast_in_dim3A_89 = vector.broadcast %broadcast_in_dim3A_88 : i32 to vector<16xi32>
      %gather3A_90 = tpu.vector_load_idx %arg15[%add3A_30, %broadcast_in_dim3A_89] : memref<512x32xf32, #tpu.memory_space<vmem>>[vector<16xi32>, vector<16xi32>], vector<16xf32>,
      %gather3A_91 = tpu.vector_load_idx %arg16[%add3A_30, %broadcast_in_dim3A_89] : memref<512x32xf32, #tpu.memory_space<vmem>>[vector<16xi32>, vector<16xi32>], vector<16xf32>,
      %gather3A_92 = tpu.vector_load_idx %arg17[%add3A_30, %broadcast_in_dim3A_89] : memref<512x32xf32, #tpu.memory_space<vmem>>[vector<16xi32>, vector<16xi32>], vector<16xf32>,
      %mul3A_93 = arith.mulf %gather3A_90, %gather3A_91 : vector<16xf32>
      %mul3A_94 = arith.mulf %mul3A_93, %gather3A_92 : vector<16xf32>
      %add3A_95 = arith.addf %add3A_87, %mul3A_94 : vector<16xf32>
      %broadcast_in_dim3A_96 = arith.constant 8 : i32
      %broadcast_in_dim3A_97 = vector.broadcast %broadcast_in_dim3A_96 : i32 to vector<16xi32>
      %gather3A_98 = tpu.vector_load_idx %arg15[%add3A_30, %broadcast_in_dim3A_97] : memref<512x32xf32, #tpu.memory_space<vmem>>[vector<16xi32>, vector<16xi32>], vector<16xf32>,
      %gather3A_99 = tpu.vector_load_idx %arg16[%add3A_30, %broadcast_in_dim3A_97] : memref<512x32xf32, #tpu.memory_space<vmem>>[vector<16xi32>, vector<16xi32>], vector<16xf32>,
      %gather3A_100 = tpu.vector_load_idx %arg17[%add3A_30, %broadcast_in_dim3A_97] : memref<512x32xf32, #tpu.memory_space<vmem>>[vector<16xi32>, vector<16xi32>], vector<16xf32>,
      %mul3A_101 = arith.mulf %gather3A_98, %gather3A_99 : vector<16xf32>
      %mul3A_102 = arith.mulf %mul3A_101, %gather3A_100 : vector<16xf32>
      %add3A_103 = arith.addf %add3A_95, %mul3A_102 : vector<16xf32>
      %broadcast_in_dim3A_104 = arith.constant 9 : i32
      %broadcast_in_dim3A_105 = vector.broadcast %broadcast_in_dim3A_104 : i32 to vector<16xi32>
      %gather3A_106 = tpu.vector_load_idx %arg15[%add3A_30, %broadcast_in_dim3A_105] : memref<512x32xf32, #tpu.memory_space<vmem>>[vector<16xi32>, vector<16xi32>], vector<16xf32>,
      %gather3A_107 = tpu.vector_load_idx %arg16[%add3A_30, %broadcast_in_dim3A_105] : memref<512x32xf32, #tpu.memory_space<vmem>>[vector<16xi32>, vector<16xi32>], vector<16xf32>,
      %gather3A_108 = tpu.vector_load_idx %arg17[%add3A_30, %broadcast_in_dim3A_105] : memref<512x32xf32, #tpu.memory_space<vmem>>[vector<16xi32>, vector<16xi32>], vector<16xf32>,
      %mul3A_109 = arith.mulf %gather3A_106, %gather3A_107 : vector<16xf32>
      %mul3A_110 = arith.mulf %mul3A_109, %gather3A_108 : vector<16xf32>
      %add3A_111 = arith.addf %add3A_103, %mul3A_110 : vector<16xf32>
      %broadcast_in_dim3A_112 = arith.constant 10 : i32
      %broadcast_in_dim3A_113 = vector.broadcast %broadcast_in_dim3A_112 : i32 to vector<16xi32>
      %gather3A_114 = tpu.vector_load_idx %arg15[%add3A_30, %broadcast_in_dim3A_113] : memref<512x32xf32, #tpu.memory_space<vmem>>[vector<16xi32>, vector<16xi32>], vector<16xf32>,
      %gather3A_115 = tpu.vector_load_idx %arg16[%add3A_30, %broadcast_in_dim3A_113] : memref<512x32xf32, #tpu.memory_space<vmem>>[vector<16xi32>, vector<16xi32>], vector<16xf32>,
      %gather3A_116 = tpu.vector_load_idx %arg17[%add3A_30, %broadcast_in_dim3A_113] : memref<512x32xf32, #tpu.memory_space<vmem>>[vector<16xi32>, vector<16xi32>], vector<16xf32>,
      %mul3A_117 = arith.mulf %gather3A_114, %gather3A_115 : vector<16xf32>
      %mul3A_118 = arith.mulf %mul3A_117, %gather3A_116 : vector<16xf32>
      %add3A_119 = arith.addf %add3A_111, %mul3A_118 : vector<16xf32>
      %broadcast_in_dim3A_120 = arith.constant 11 : i32
      %broadcast_in_dim3A_121 = vector.broadcast %broadcast_in_dim3A_120 : i32 to vector<16xi32>
      %gather3A_122 = tpu.vector_load_idx %arg15[%add3A_30, %broadcast_in_dim3A_121] : memref<512x32xf32, #tpu.memory_space<vmem>>[vector<16xi32>, vector<16xi32>], vector<16xf32>,
      %gather3A_123 = tpu.vector_load_idx %arg16[%add3A_30, %broadcast_in_dim3A_121] : memref<512x32xf32, #tpu.memory_space<vmem>>[vector<16xi32>, vector<16xi32>], vector<16xf32>,
      %gather3A_124 = tpu.vector_load_idx %arg17[%add3A_30, %broadcast_in_dim3A_121] : memref<512x32xf32, #tpu.memory_space<vmem>>[vector<16xi32>, vector<16xi32>], vector<16xf32>,
      %mul3A_125 = arith.mulf %gather3A_122, %gather3A_123 : vector<16xf32>
      %mul3A_126 = arith.mulf %mul3A_125, %gather3A_124 : vector<16xf32>
      %add3A_127 = arith.addf %add3A_119, %mul3A_126 : vector<16xf32>
      %broadcast_in_dim3A_128 = arith.constant 12 : i32
      %broadcast_in_dim3A_129 = vector.broadcast %broadcast_in_dim3A_128 : i32 to vector<16xi32>
      %gather3A_130 = tpu.vector_load_idx %arg15[%add3A_30, %broadcast_in_dim3A_129] : memref<512x32xf32, #tpu.memory_space<vmem>>[vector<16xi32>, vector<16xi32>], vector<16xf32>,
      %gather3A_131 = tpu.vector_load_idx %arg16[%add3A_30, %broadcast_in_dim3A_129] : memref<512x32xf32, #tpu.memory_space<vmem>>[vector<16xi32>, vector<16xi32>], vector<16xf32>,
      %gather3A_132 = tpu.vector_load_idx %arg17[%add3A_30, %broadcast_in_dim3A_129] : memref<512x32xf32, #tpu.memory_space<vmem>>[vector<16xi32>, vector<16xi32>], vector<16xf32>,
      %mul3A_133 = arith.mulf %gather3A_130, %gather3A_131 : vector<16xf32>
      %mul3A_134 = arith.mulf %mul3A_133, %gather3A_132 : vector<16xf32>
      %add3A_135 = arith.addf %add3A_127, %mul3A_134 : vector<16xf32>
      %broadcast_in_dim3A_136 = arith.constant 13 : i32
      %broadcast_in_dim3A_137 = vector.broadcast %broadcast_in_dim3A_136 : i32 to vector<16xi32>
      %gather3A_138 = tpu.vector_load_idx %arg15[%add3A_30, %broadcast_in_dim3A_137] : memref<512x32xf32, #tpu.memory_space<vmem>>[vector<16xi32>, vector<16xi32>], vector<16xf32>,
      %gather3A_139 = tpu.vector_load_idx %arg16[%add3A_30, %broadcast_in_dim3A_137] : memref<512x32xf32, #tpu.memory_space<vmem>>[vector<16xi32>, vector<16xi32>], vector<16xf32>,
      %gather3A_140 = tpu.vector_load_idx %arg17[%add3A_30, %broadcast_in_dim3A_137] : memref<512x32xf32, #tpu.memory_space<vmem>>[vector<16xi32>, vector<16xi32>], vector<16xf32>,
      %mul3A_141 = arith.mulf %gather3A_138, %gather3A_139 : vector<16xf32>
      %mul3A_142 = arith.mulf %mul3A_141, %gather3A_140 : vector<16xf32>
      %add3A_143 = arith.addf %add3A_135, %mul3A_142 : vector<16xf32>
      %broadcast_in_dim3A_144 = arith.constant 14 : i32
      %broadcast_in_dim3A_145 = vector.broadcast %broadcast_in_dim3A_144 : i32 to vector<16xi32>
      %gather3A_146 = tpu.vector_load_idx %arg15[%add3A_30, %broadcast_in_dim3A_145] : memref<512x32xf32, #tpu.memory_space<vmem>>[vector<16xi32>, vector<16xi32>], vector<16xf32>,
      %gather3A_147 = tpu.vector_load_idx %arg16[%add3A_30, %broadcast_in_dim3A_145] : memref<512x32xf32, #tpu.memory_space<vmem>>[vector<16xi32>, vector<16xi32>], vector<16xf32>,
      %gather3A_148 = tpu.vector_load_idx %arg17[%add3A_30, %broadcast_in_dim3A_145] : memref<512x32xf32, #tpu.memory_space<vmem>>[vector<16xi32>, vector<16xi32>], vector<16xf32>,
      %mul3A_149 = arith.mulf %gather3A_146, %gather3A_147 : vector<16xf32>
      %mul3A_150 = arith.mulf %mul3A_149, %gather3A_148 : vector<16xf32>
      %add3A_151 = arith.addf %add3A_143, %mul3A_150 : vector<16xf32>
      %broadcast_in_dim3A_152 = arith.constant 15 : i32
      %broadcast_in_dim3A_153 = vector.broadcast %broadcast_in_dim3A_152 : i32 to vector<16xi32>
      %gather3A_154 = tpu.vector_load_idx %arg15[%add3A_30, %broadcast_in_dim3A_153] : memref<512x32xf32, #tpu.memory_space<vmem>>[vector<16xi32>, vector<16xi32>], vector<16xf32>,
      %gather3A_155 = tpu.vector_load_idx %arg16[%add3A_30, %broadcast_in_dim3A_153] : memref<512x32xf32, #tpu.memory_space<vmem>>[vector<16xi32>, vector<16xi32>], vector<16xf32>,
      %gather3A_156 = tpu.vector_load_idx %arg17[%add3A_30, %broadcast_in_dim3A_153] : memref<512x32xf32, #tpu.memory_space<vmem>>[vector<16xi32>, vector<16xi32>], vector<16xf32>,
      %mul3A_157 = arith.mulf %gather3A_154, %gather3A_155 : vector<16xf32>
      %mul3A_158 = arith.mulf %mul3A_157, %gather3A_156 : vector<16xf32>
      %add3A_159 = arith.addf %add3A_151, %mul3A_158 : vector<16xf32>
      %broadcast_in_dim3A_160 = arith.constant 16 : i32
      %broadcast_in_dim3A_161 = vector.broadcast %broadcast_in_dim3A_160 : i32 to vector<16xi32>
      %gather3A_162 = tpu.vector_load_idx %arg15[%add3A_30, %broadcast_in_dim3A_161] : memref<512x32xf32, #tpu.memory_space<vmem>>[vector<16xi32>, vector<16xi32>], vector<16xf32>,
      %gather3A_163 = tpu.vector_load_idx %arg16[%add3A_30, %broadcast_in_dim3A_161] : memref<512x32xf32, #tpu.memory_space<vmem>>[vector<16xi32>, vector<16xi32>], vector<16xf32>,
      %gather3A_164 = tpu.vector_load_idx %arg17[%add3A_30, %broadcast_in_dim3A_161] : memref<512x32xf32, #tpu.memory_space<vmem>>[vector<16xi32>, vector<16xi32>], vector<16xf32>,
      %mul3A_165 = arith.mulf %gather3A_162, %gather3A_163 : vector<16xf32>
      %mul3A_166 = arith.mulf %mul3A_165, %gather3A_164 : vector<16xf32>
      %add3A_167 = arith.addf %add3A_159, %mul3A_166 : vector<16xf32>
      %broadcast_in_dim3A_168 = arith.constant 17 : i32
      %broadcast_in_dim3A_169 = vector.broadcast %broadcast_in_dim3A_168 : i32 to vector<16xi32>
      %gather3A_170 = tpu.vector_load_idx %arg15[%add3A_30, %broadcast_in_dim3A_169] : memref<512x32xf32, #tpu.memory_space<vmem>>[vector<16xi32>, vector<16xi32>], vector<16xf32>,
      %gather3A_171 = tpu.vector_load_idx %arg16[%add3A_30, %broadcast_in_dim3A_169] : memref<512x32xf32, #tpu.memory_space<vmem>>[vector<16xi32>, vector<16xi32>], vector<16xf32>,
      %gather3A_172 = tpu.vector_load_idx %arg17[%add3A_30, %broadcast_in_dim3A_169] : memref<512x32xf32, #tpu.memory_space<vmem>>[vector<16xi32>, vector<16xi32>], vector<16xf32>,
      %mul3A_173 = arith.mulf %gather3A_170, %gather3A_171 : vector<16xf32>
      %mul3A_174 = arith.mulf %mul3A_173, %gather3A_172 : vector<16xf32>
      %add3A_175 = arith.addf %add3A_167, %mul3A_174 : vector<16xf32>
      %broadcast_in_dim3A_176 = arith.constant 18 : i32
      %broadcast_in_dim3A_177 = vector.broadcast %broadcast_in_dim3A_176 : i32 to vector<16xi32>
      %gather3A_178 = tpu.vector_load_idx %arg15[%add3A_30, %broadcast_in_dim3A_177] : memref<512x32xf32, #tpu.memory_space<vmem>>[vector<16xi32>, vector<16xi32>], vector<16xf32>,
      %gather3A_179 = tpu.vector_load_idx %arg16[%add3A_30, %broadcast_in_dim3A_177] : memref<512x32xf32, #tpu.memory_space<vmem>>[vector<16xi32>, vector<16xi32>], vector<16xf32>,
      %gather3A_180 = tpu.vector_load_idx %arg17[%add3A_30, %broadcast_in_dim3A_177] : memref<512x32xf32, #tpu.memory_space<vmem>>[vector<16xi32>, vector<16xi32>], vector<16xf32>,
      %mul3A_181 = arith.mulf %gather3A_178, %gather3A_179 : vector<16xf32>
      %mul3A_182 = arith.mulf %mul3A_181, %gather3A_180 : vector<16xf32>
      %add3A_183 = arith.addf %add3A_175, %mul3A_182 : vector<16xf32>
      %broadcast_in_dim3A_184 = arith.constant 19 : i32
      %broadcast_in_dim3A_185 = vector.broadcast %broadcast_in_dim3A_184 : i32 to vector<16xi32>
      %gather3A_186 = tpu.vector_load_idx %arg15[%add3A_30, %broadcast_in_dim3A_185] : memref<512x32xf32, #tpu.memory_space<vmem>>[vector<16xi32>, vector<16xi32>], vector<16xf32>,
      %gather3A_187 = tpu.vector_load_idx %arg16[%add3A_30, %broadcast_in_dim3A_185] : memref<512x32xf32, #tpu.memory_space<vmem>>[vector<16xi32>, vector<16xi32>], vector<16xf32>,
      %gather3A_188 = tpu.vector_load_idx %arg17[%add3A_30, %broadcast_in_dim3A_185] : memref<512x32xf32, #tpu.memory_space<vmem>>[vector<16xi32>, vector<16xi32>], vector<16xf32>,
      %mul3A_189 = arith.mulf %gather3A_186, %gather3A_187 : vector<16xf32>
      %mul3A_190 = arith.mulf %mul3A_189, %gather3A_188 : vector<16xf32>
      %add3A_191 = arith.addf %add3A_183, %mul3A_190 : vector<16xf32>
      %broadcast_in_dim3A_192 = arith.constant 20 : i32
      %broadcast_in_dim3A_193 = vector.broadcast %broadcast_in_dim3A_192 : i32 to vector<16xi32>
      %gather3A_194 = tpu.vector_load_idx %arg15[%add3A_30, %broadcast_in_dim3A_193] : memref<512x32xf32, #tpu.memory_space<vmem>>[vector<16xi32>, vector<16xi32>], vector<16xf32>,
      %gather3A_195 = tpu.vector_load_idx %arg16[%add3A_30, %broadcast_in_dim3A_193] : memref<512x32xf32, #tpu.memory_space<vmem>>[vector<16xi32>, vector<16xi32>], vector<16xf32>,
      %gather3A_196 = tpu.vector_load_idx %arg17[%add3A_30, %broadcast_in_dim3A_193] : memref<512x32xf32, #tpu.memory_space<vmem>>[vector<16xi32>, vector<16xi32>], vector<16xf32>,
      %mul3A_197 = arith.mulf %gather3A_194, %gather3A_195 : vector<16xf32>
      %mul3A_198 = arith.mulf %mul3A_197, %gather3A_196 : vector<16xf32>
      %add3A_199 = arith.addf %add3A_191, %mul3A_198 : vector<16xf32>
      %broadcast_in_dim3A_200 = arith.constant 21 : i32
      %broadcast_in_dim3A_201 = vector.broadcast %broadcast_in_dim3A_200 : i32 to vector<16xi32>
      %gather3A_202 = tpu.vector_load_idx %arg15[%add3A_30, %broadcast_in_dim3A_201] : memref<512x32xf32, #tpu.memory_space<vmem>>[vector<16xi32>, vector<16xi32>], vector<16xf32>,
      %gather3A_203 = tpu.vector_load_idx %arg16[%add3A_30, %broadcast_in_dim3A_201] : memref<512x32xf32, #tpu.memory_space<vmem>>[vector<16xi32>, vector<16xi32>], vector<16xf32>,
      %gather3A_204 = tpu.vector_load_idx %arg17[%add3A_30, %broadcast_in_dim3A_201] : memref<512x32xf32, #tpu.memory_space<vmem>>[vector<16xi32>, vector<16xi32>], vector<16xf32>,
      %mul3A_205 = arith.mulf %gather3A_202, %gather3A_203 : vector<16xf32>
      %mul3A_206 = arith.mulf %mul3A_205, %gather3A_204 : vector<16xf32>
      %add3A_207 = arith.addf %add3A_199, %mul3A_206 : vector<16xf32>
      %broadcast_in_dim3A_208 = arith.constant 22 : i32
      %broadcast_in_dim3A_209 = vector.broadcast %broadcast_in_dim3A_208 : i32 to vector<16xi32>
      %gather3A_210 = tpu.vector_load_idx %arg15[%add3A_30, %broadcast_in_dim3A_209] : memref<512x32xf32, #tpu.memory_space<vmem>>[vector<16xi32>, vector<16xi32>], vector<16xf32>,
      %gather3A_211 = tpu.vector_load_idx %arg16[%add3A_30, %broadcast_in_dim3A_209] : memref<512x32xf32, #tpu.memory_space<vmem>>[vector<16xi32>, vector<16xi32>], vector<16xf32>,
      %gather3A_212 = tpu.vector_load_idx %arg17[%add3A_30, %broadcast_in_dim3A_209] : memref<512x32xf32, #tpu.memory_space<vmem>>[vector<16xi32>, vector<16xi32>], vector<16xf32>,
      %mul3A_213 = arith.mulf %gather3A_210, %gather3A_211 : vector<16xf32>
      %mul3A_214 = arith.mulf %mul3A_213, %gather3A_212 : vector<16xf32>
      %add3A_215 = arith.addf %add3A_207, %mul3A_214 : vector<16xf32>
      %broadcast_in_dim3A_216 = arith.constant 23 : i32
      %broadcast_in_dim3A_217 = vector.broadcast %broadcast_in_dim3A_216 : i32 to vector<16xi32>
      %gather3A_218 = tpu.vector_load_idx %arg15[%add3A_30, %broadcast_in_dim3A_217] : memref<512x32xf32, #tpu.memory_space<vmem>>[vector<16xi32>, vector<16xi32>], vector<16xf32>,
      %gather3A_219 = tpu.vector_load_idx %arg16[%add3A_30, %broadcast_in_dim3A_217] : memref<512x32xf32, #tpu.memory_space<vmem>>[vector<16xi32>, vector<16xi32>], vector<16xf32>,
      %gather3A_220 = tpu.vector_load_idx %arg17[%add3A_30, %broadcast_in_dim3A_217] : memref<512x32xf32, #tpu.memory_space<vmem>>[vector<16xi32>, vector<16xi32>], vector<16xf32>,
      %mul3A_221 = arith.mulf %gather3A_218, %gather3A_219 : vector<16xf32>
      %mul3A_222 = arith.mulf %mul3A_221, %gather3A_220 : vector<16xf32>
      %add3A_223 = arith.addf %add3A_215, %mul3A_222 : vector<16xf32>
      %broadcast_in_dim3A_224 = arith.constant 24 : i32
      %broadcast_in_dim3A_225 = vector.broadcast %broadcast_in_dim3A_224 : i32 to vector<16xi32>
      %gather3A_226 = tpu.vector_load_idx %arg15[%add3A_30, %broadcast_in_dim3A_225] : memref<512x32xf32, #tpu.memory_space<vmem>>[vector<16xi32>, vector<16xi32>], vector<16xf32>,
      %gather3A_227 = tpu.vector_load_idx %arg16[%add3A_30, %broadcast_in_dim3A_225] : memref<512x32xf32, #tpu.memory_space<vmem>>[vector<16xi32>, vector<16xi32>], vector<16xf32>,
      %gather3A_228 = tpu.vector_load_idx %arg17[%add3A_30, %broadcast_in_dim3A_225] : memref<512x32xf32, #tpu.memory_space<vmem>>[vector<16xi32>, vector<16xi32>], vector<16xf32>,
      %mul3A_229 = arith.mulf %gather3A_226, %gather3A_227 : vector<16xf32>
      %mul3A_230 = arith.mulf %mul3A_229, %gather3A_228 : vector<16xf32>
      %add3A_231 = arith.addf %add3A_223, %mul3A_230 : vector<16xf32>
      %broadcast_in_dim3A_232 = arith.constant 25 : i32
      %broadcast_in_dim3A_233 = vector.broadcast %broadcast_in_dim3A_232 : i32 to vector<16xi32>
      %gather3A_234 = tpu.vector_load_idx %arg15[%add3A_30, %broadcast_in_dim3A_233] : memref<512x32xf32, #tpu.memory_space<vmem>>[vector<16xi32>, vector<16xi32>], vector<16xf32>,
      %gather3A_235 = tpu.vector_load_idx %arg16[%add3A_30, %broadcast_in_dim3A_233] : memref<512x32xf32, #tpu.memory_space<vmem>>[vector<16xi32>, vector<16xi32>], vector<16xf32>,
      %gather3A_236 = tpu.vector_load_idx %arg17[%add3A_30, %broadcast_in_dim3A_233] : memref<512x32xf32, #tpu.memory_space<vmem>>[vector<16xi32>, vector<16xi32>], vector<16xf32>,
      %mul3A_237 = arith.mulf %gather3A_234, %gather3A_235 : vector<16xf32>
      %mul3A_238 = arith.mulf %mul3A_237, %gather3A_236 : vector<16xf32>
      %add3A_239 = arith.addf %add3A_231, %mul3A_238 : vector<16xf32>
      %broadcast_in_dim3A_240 = arith.constant 26 : i32
      %broadcast_in_dim3A_241 = vector.broadcast %broadcast_in_dim3A_240 : i32 to vector<16xi32>
      %gather3A_242 = tpu.vector_load_idx %arg15[%add3A_30, %broadcast_in_dim3A_241] : memref<512x32xf32, #tpu.memory_space<vmem>>[vector<16xi32>, vector<16xi32>], vector<16xf32>,
      %gather3A_243 = tpu.vector_load_idx %arg16[%add3A_30, %broadcast_in_dim3A_241] : memref<512x32xf32, #tpu.memory_space<vmem>>[vector<16xi32>, vector<16xi32>], vector<16xf32>,
      %gather3A_244 = tpu.vector_load_idx %arg17[%add3A_30, %broadcast_in_dim3A_241] : memref<512x32xf32, #tpu.memory_space<vmem>>[vector<16xi32>, vector<16xi32>], vector<16xf32>,
      %mul3A_245 = arith.mulf %gather3A_242, %gather3A_243 : vector<16xf32>
      %mul3A_246 = arith.mulf %mul3A_245, %gather3A_244 : vector<16xf32>
      %add3A_247 = arith.addf %add3A_239, %mul3A_246 : vector<16xf32>
      %broadcast_in_dim3A_248 = arith.constant 27 : i32
      %broadcast_in_dim3A_249 = vector.broadcast %broadcast_in_dim3A_248 : i32 to vector<16xi32>
      %gather3A_250 = tpu.vector_load_idx %arg15[%add3A_30, %broadcast_in_dim3A_249] : memref<512x32xf32, #tpu.memory_space<vmem>>[vector<16xi32>, vector<16xi32>], vector<16xf32>,
      %gather3A_251 = tpu.vector_load_idx %arg16[%add3A_30, %broadcast_in_dim3A_249] : memref<512x32xf32, #tpu.memory_space<vmem>>[vector<16xi32>, vector<16xi32>], vector<16xf32>,
      %gather3A_252 = tpu.vector_load_idx %arg17[%add3A_30, %broadcast_in_dim3A_249] : memref<512x32xf32, #tpu.memory_space<vmem>>[vector<16xi32>, vector<16xi32>], vector<16xf32>,
      %mul3A_253 = arith.mulf %gather3A_250, %gather3A_251 : vector<16xf32>
      %mul3A_254 = arith.mulf %mul3A_253, %gather3A_252 : vector<16xf32>
      %add3A_255 = arith.addf %add3A_247, %mul3A_254 : vector<16xf32>
      %broadcast_in_dim3A_256 = arith.constant 28 : i32
      %broadcast_in_dim3A_257 = vector.broadcast %broadcast_in_dim3A_256 : i32 to vector<16xi32>
      %gather3A_258 = tpu.vector_load_idx %arg15[%add3A_30, %broadcast_in_dim3A_257] : memref<512x32xf32, #tpu.memory_space<vmem>>[vector<16xi32>, vector<16xi32>], vector<16xf32>,
      %gather3A_259 = tpu.vector_load_idx %arg16[%add3A_30, %broadcast_in_dim3A_257] : memref<512x32xf32, #tpu.memory_space<vmem>>[vector<16xi32>, vector<16xi32>], vector<16xf32>,
      %gather3A_260 = tpu.vector_load_idx %arg17[%add3A_30, %broadcast_in_dim3A_257] : memref<512x32xf32, #tpu.memory_space<vmem>>[vector<16xi32>, vector<16xi32>], vector<16xf32>,
      %mul3A_261 = arith.mulf %gather3A_258, %gather3A_259 : vector<16xf32>
      %mul3A_262 = arith.mulf %mul3A_261, %gather3A_260 : vector<16xf32>
      %add3A_263 = arith.addf %add3A_255, %mul3A_262 : vector<16xf32>
      %broadcast_in_dim3A_264 = arith.constant 29 : i32
      %broadcast_in_dim3A_265 = vector.broadcast %broadcast_in_dim3A_264 : i32 to vector<16xi32>
      %gather3A_266 = tpu.vector_load_idx %arg15[%add3A_30, %broadcast_in_dim3A_265] : memref<512x32xf32, #tpu.memory_space<vmem>>[vector<16xi32>, vector<16xi32>], vector<16xf32>,
      %gather3A_267 = tpu.vector_load_idx %arg16[%add3A_30, %broadcast_in_dim3A_265] : memref<512x32xf32, #tpu.memory_space<vmem>>[vector<16xi32>, vector<16xi32>], vector<16xf32>,
      %gather3A_268 = tpu.vector_load_idx %arg17[%add3A_30, %broadcast_in_dim3A_265] : memref<512x32xf32, #tpu.memory_space<vmem>>[vector<16xi32>, vector<16xi32>], vector<16xf32>,
      %mul3A_269 = arith.mulf %gather3A_266, %gather3A_267 : vector<16xf32>
      %mul3A_270 = arith.mulf %mul3A_269, %gather3A_268 : vector<16xf32>
      %add3A_271 = arith.addf %add3A_263, %mul3A_270 : vector<16xf32>
      %broadcast_in_dim3A_272 = arith.constant 30 : i32
      %broadcast_in_dim3A_273 = vector.broadcast %broadcast_in_dim3A_272 : i32 to vector<16xi32>
      %gather3A_274 = tpu.vector_load_idx %arg15[%add3A_30, %broadcast_in_dim3A_273] : memref<512x32xf32, #tpu.memory_space<vmem>>[vector<16xi32>, vector<16xi32>], vector<16xf32>,
      %gather3A_275 = tpu.vector_load_idx %arg16[%add3A_30, %broadcast_in_dim3A_273] : memref<512x32xf32, #tpu.memory_space<vmem>>[vector<16xi32>, vector<16xi32>], vector<16xf32>,
      %gather3A_276 = tpu.vector_load_idx %arg17[%add3A_30, %broadcast_in_dim3A_273] : memref<512x32xf32, #tpu.memory_space<vmem>>[vector<16xi32>, vector<16xi32>], vector<16xf32>,
      %mul3A_277 = arith.mulf %gather3A_274, %gather3A_275 : vector<16xf32>
      %mul3A_278 = arith.mulf %mul3A_277, %gather3A_276 : vector<16xf32>
      %add3A_279 = arith.addf %add3A_271, %mul3A_278 : vector<16xf32>
      %broadcast_in_dim3A_280 = arith.constant 31 : i32
      %broadcast_in_dim3A_281 = vector.broadcast %broadcast_in_dim3A_280 : i32 to vector<16xi32>
      %gather3A_282 = tpu.vector_load_idx %arg15[%add3A_30, %broadcast_in_dim3A_281] : memref<512x32xf32, #tpu.memory_space<vmem>>[vector<16xi32>, vector<16xi32>], vector<16xf32>,
      %gather3A_283 = tpu.vector_load_idx %arg16[%add3A_30, %broadcast_in_dim3A_281] : memref<512x32xf32, #tpu.memory_space<vmem>>[vector<16xi32>, vector<16xi32>], vector<16xf32>,
      %gather3A_284 = tpu.vector_load_idx %arg17[%add3A_30, %broadcast_in_dim3A_281] : memref<512x32xf32, #tpu.memory_space<vmem>>[vector<16xi32>, vector<16xi32>], vector<16xf32>,
      %mul3A_285 = arith.mulf %gather3A_282, %gather3A_283 : vector<16xf32>
      %mul3A_286 = arith.mulf %mul3A_285, %gather3A_284 : vector<16xf32>
      %add3A_287 = arith.addf %add3A_279, %mul3A_286 : vector<16xf32>
      %get3A = arith.constant 0 : index
      %get3A_288 = tpu.vector_load %arg20[%get3A] {strides = array<i32>} : memref<16xf32, #tpu.memory_space<vmem>>, vector<16xf32>,
      %mul3A_289 = arith.mulf %get3A_288, %add3A_287 : vector<16xf32>
      %get3A_290 = arith.constant 0 : index
      %get3A_291 = tpu.vector_load %arg21[%get3A_290] {strides = array<i32>} : memref<16xf32, #tpu.memory_space<vmem>>, vector<16xf32>,
      %add3A_292 = arith.addf %mul3A_289, %get3A_291 : vector<16xf32>
      %neg3A = arith.constant 0.000000e+00 : f32
      %neg3A_293 = vector.broadcast %neg3A : f32 to vector<16xf32>
      %neg3A_294 = arith.subf %neg3A_293, %add3A_292 : vector<16xf32>
      %exp3A = math.exp %neg3A_294 : vector<16xf32>
      %add3A_295 = arith.constant 1.000000e+00 : f32
      %add3A_296 = vector.broadcast %add3A_295 : f32 to vector<16xf32>
      %add3A_297 = arith.addf %add3A_296, %exp3A : vector<16xf32>
      %div3A = arith.constant 1.000000e+00 : f32
      %div3A_298 = vector.broadcast %div3A : f32 to vector<16xf32>
      %div3A_299 = arith.divf %div3A_298, %add3A_297 : vector<16xf32>
      %mul3A_300 = arith.constant 16 : i32
      %mul3A_301 = arith.muli %scan3A_26, %mul3A_300 : i32
      %swap3A_302 = arith.index_cast %mul3A_301 : i32 to index
      %swap3A_303 = tpu.vector_load %arg19[%swap3A_302] {strides = array<i32>} : memref<512xf32, #tpu.memory_space<vmem>>, vector<16xf32>,
      tpu.vector_store %arg19[%swap3A_302], %div3A_299 {strides = array<i32>} : memref<512xf32, #tpu.memory_space<vmem>>, vector<16xf32>,
      %mul3A_304 = arith.constant 16 : i32
      %mul3A_305 = arith.muli %scan3A_26, %mul3A_304 : i32
      %get3A_306 = arith.index_cast %mul3A_305 : i32 to index
      %get3A_307 = tpu.vector_load %arg18[%get3A_306] {strides = array<i32>} : memref<512xf32, #tpu.memory_space<vmem>>, vector<16xf32>,
      %sub3A = arith.subf %div3A_299, %get3A_307 : vector<16xf32>
      %get3A_308 = arith.constant 0 : index
      %get3A_309 = tpu.vector_load %arg22[%get3A_308] {strides = array<i32>} : memref<16xf32, #tpu.memory_space<vmem>>, vector<16xf32>,
      %mul3A_310 = arith.mulf %sub3A, %sub3A : vector<16xf32>
      %add3A_311 = arith.addf %get3A_309, %mul3A_310 : vector<16xf32>
      %swap3A_312 = arith.constant 0 : index
      %swap3A_313 = tpu.vector_load %arg22[%swap3A_312] {strides = array<i32>} : memref<16xf32, #tpu.memory_space<vmem>>, vector<16xf32>,
      tpu.vector_store %arg22[%swap3A_312], %add3A_311 {strides = array<i32>} : memref<16xf32, #tpu.memory_space<vmem>>, vector<16xf32>,
    }
    %scan3A_25 = arith.constant 32 : i32
    "tpu.region"() ({
      %run_scoped3A = tpu.sem_alloc : memref<!tpu.dma_semaphore, #tpu.memory_space<semaphore_mem>>
      %dma_start3A_26 = tpu.memref_slice %arg10[%mul3A_2] : memref<16384xf32, #tpu.memory_space<hbm>> -> memref<512xf32, #tpu.memory_space<hbm>>
      %dma_start3A_27 = tpu.memref_slice %arg10[%mul3A_2] : memref<16384xf32, #tpu.memory_space<hbm>> -> memref<512xf32, #tpu.memory_space<hbm>>
      tpu.enqueue_dma source(%arg19 : memref<512xf32, #tpu.memory_space<vmem>>) target(%dma_start3A_27 : memref<512xf32, #tpu.memory_space<hbm>>) target_semaphore(%run_scoped3A : memref<!tpu.dma_semaphore, #tpu.memory_space<semaphore_mem>>)
      %dma_wait3A_28 = tpu.memref_slice %arg10[%mul3A_2] : memref<16384xf32, #tpu.memory_space<hbm>> -> memref<512xf32, #tpu.memory_space<hbm>>
      %dma_wait3A_29 = tpu.memref_slice %arg10[%mul3A_2] : memref<16384xf32, #tpu.memory_space<hbm>> -> memref<512xf32, #tpu.memory_space<hbm>>
      tpu.wait_dma2 semaphore(%run_scoped3A : memref<!tpu.dma_semaphore, #tpu.memory_space<semaphore_mem>>) src(%arg19 : memref<512xf32, #tpu.memory_space<vmem>>) dst(%dma_wait3A_29 : memref<512xf32, #tpu.memory_space<hbm>>)
      tpu.yield
    }) : () -> ()
    "tpu.region"() ({
      %run_scoped3A = tpu.sem_alloc : memref<!tpu.dma_semaphore, #tpu.memory_space<semaphore_mem>>
      %dma_start3A_26 = arith.constant 0 : i32
      %dma_start3A_27 = tpu.memref_slice %arg11[%add3A, %dma_start3A_26] : memref<32x16xf32, #tpu.memory_space<hbm>> -> memref<1x16xf32, #tpu.memory_space<hbm>>
      %dma_start3A_28 = tpu.memref_squeeze %dma_start3A_27 : memref<1x16xf32, #tpu.memory_space<hbm>> -> memref<16xf32, #tpu.memory_space<hbm>>
      %dma_start3A_29 = arith.constant 0 : i32
      %dma_start3A_30 = tpu.memref_slice %arg11[%add3A, %dma_start3A_29] : memref<32x16xf32, #tpu.memory_space<hbm>> -> memref<1x16xf32, #tpu.memory_space<hbm>>
      %dma_start3A_31 = tpu.memref_squeeze %dma_start3A_30 : memref<1x16xf32, #tpu.memory_space<hbm>> -> memref<16xf32, #tpu.memory_space<hbm>>
      tpu.enqueue_dma source(%arg22 : memref<16xf32, #tpu.memory_space<vmem>>) target(%dma_start3A_31 : memref<16xf32, #tpu.memory_space<hbm>>) target_semaphore(%run_scoped3A : memref<!tpu.dma_semaphore, #tpu.memory_space<semaphore_mem>>)
      %dma_wait3A_32 = arith.constant 0 : i32
      %dma_wait3A_33 = tpu.memref_slice %arg11[%add3A, %dma_wait3A_32] : memref<32x16xf32, #tpu.memory_space<hbm>> -> memref<1x16xf32, #tpu.memory_space<hbm>>
      %dma_wait3A_34 = tpu.memref_squeeze %dma_wait3A_33 : memref<1x16xf32, #tpu.memory_space<hbm>> -> memref<16xf32, #tpu.memory_space<hbm>>
      %dma_wait3A_35 = arith.constant 0 : i32
      %dma_wait3A_36 = tpu.memref_slice %arg11[%add3A, %dma_wait3A_35] : memref<32x16xf32, #tpu.memory_space<hbm>> -> memref<1x16xf32, #tpu.memory_space<hbm>>
      %dma_wait3A_37 = tpu.memref_squeeze %dma_wait3A_36 : memref<1x16xf32, #tpu.memory_space<hbm>> -> memref<16xf32, #tpu.memory_space<hbm>>
      tpu.wait_dma2 semaphore(%run_scoped3A : memref<!tpu.dma_semaphore, #tpu.memory_space<semaphore_mem>>) src(%arg22 : memref<16xf32, #tpu.memory_space<vmem>>) dst(%dma_wait3A_37 : memref<16xf32, #tpu.memory_space<hbm>>)
      tpu.yield
    }) : () -> ()
    return
  }
}

</mosaic_0001>

<sc_bundles>
// kernel: kernel.3.cloned.1.call-start
scs
__scs_entry_jumppad:
0x0: {  	(pc) =	sbr.rel $0x88, $3  }
0x1: {  	(tag) =	ssettag $0x0;
	lr =	simm.s32 $0x1  }
0x2: {  	[smem:$0x3F99] =	sst lr;
	_ =	strace $0xD0000000  }
0x3: {  	_ = 	snop  }
0x4: {  	_ = 	snop  }
0x5: {  	_ = 	snop  }
0x6: {  	_ = 	snop  }
0x7: {  	_ = 	snop  }
__scs_overlays_trampoline_lowered:
0x8: {  	[smem:$0x3FA8] =	sst s0  }
0x9: {  	[smem:$0x3FA9] =	sst s1  }
0xa: {  	[smem:$0x3FAA] =	sst s2  }
0xb: {  	[smem:$0x3FAB] =	sst s3  }
0xc: {  	[smem:$0x3FAC] =	sst s4  }
0xd: {  	[smem:$0x3FAD] =	sst s5  }
0xe: {  	[smem:$0x3FAE] =	sst s6  }
0xf: {  	[smem:$0x3FAF] =	sst s7  }
0x10: {  	[smem:$0x3FB0] =	sst s8  }
0x11: {  	[smem:$0x3FB1] =	sst s9;
	s0 =	simm.s32 @!p0 $0x0  }
0x12: {  	s1 =	sld [smem:$0x3F97];
	s0 =	simm.s32 @p0 $0x1  }
0x13: {  	[smem:$0x3FB2] =	sst s0;
	s0 =	simm.s32 @!p1 $0x0  }
0x14: {  	s2 =	sld [smem:$0x3F96];
	s0 =	simm.s32 @p1 $0x1  }
0x15: {  	[smem:$0x3FB3] =	sst s0;
	s0 =	simm.s32 @!p2 $0x0  }
0x16: {  	s3 =	sld [smem:$0x3FDB];
	s0 =	simm.s32 @p2 $0x1  }
0x17: {  	s4 =	simm.s32 $0x1BF5;
	[smem:$0x3FB5] =	sst s0  }
0x18: {  	s0 =	sld [smem:$0x3F98];
	_ =	swait.ge [sflag:s4], $0x0  }
0x19: {  	s7 =	sld [smem:$0x3F99]  }
0x1a: {  	s8 =	sadd.s32 $0xFFFFE003, lr  }
0x1b: {  	s9 =	sadd.s32 $0xFFFFFEF7, lr;
	s5 =	simm.s32 $0xFFFFFFFF;
	p2 =	slt.u32 s8, $0xFFFFF086  }
0x1c: {  	p1 =	slt.u32 s9, $0xF7A;
	s5 =	simm.s32 @!p2 $0x0  }
0x1d: {  	s5 =	simm.s32 @p1 $0x1;
	p0 =	seq.s32 s7, s2  }
0x1e: {  	s7 =	smul.u32 @!p0 $0xF7A, s2;
	p2 =	seq.s32 @!p0 s5, $0x0  }
0x1f: {  	s9 =	smul.u32 $0xF7A, s1;
	s8 =	simm.s32 @!p0 $0x1BF5;
	p2 =	por !p2, p0  }
0x20: {  	[sflag:s8] =	ssyncset.s32 @!p0 $0xFFFFF086;
	s6 =	sadd.s32 @!p0 s3, s7;
	s7 =	simm.s32 @!p0 $0x108  }
0x21: {  	s3 =	sadd.s32 s3, s9;
	s6 =	sadd.s32 @!p0 $0x88, s6;
	s7 =	simm.s32 @p2 $0x1082  }
0x22: {  	[simem:s7], [sflag:s8] =	dma.local @!p0 [hbm:s6], $0xF7A  }
0x23: {  	s9 =	sor.u32 $0xD0000000, s2;
	s6 =	simm.s32 $0x108;
	_ =	swait.ge @!p0 [sflag:s8], $0x0  }
0x24: {  	s3 =	sadd.s32 $0x88, s3;
	s6 =	simm.s32 @!p1 $0x1082;
	[sflag:s4] =	ssyncset.s32 $0xFFFFF086  }
0x25: {  	[simem:s6], [sflag:s4] =	dma.local [hbm:s3], $0xF7A  }
0x26: {  	[smem:$0x3F99] =	sst s1;
	(tag) =	ssettag s2;
	_ =	strace s9  }
0x27: {  	s1 =	sld [smem:$0x3FA9]  }
0x28: {  	s2 =	sld [smem:$0x3FAA]  }
0x29: {  	s4 =	sld [smem:$0x3FAC]  }
0x2a: {  	p0 =	seq.s32 s5, $0x0;
	s5 =	sld [smem:$0x3FAD]  }
0x2b: {  	s6 =	sld [smem:$0x3FAE]  }
0x2c: {  	s7 =	sld [smem:$0x3FAF]  }
0x2d: {  	s3 =	simm.s32 $0x108;
	s8 =	sld [smem:$0x3FB0]  }
0x2e: {  	s3 =	simm.s32 @!p0 $0x1082;
	s9 =	sld [smem:$0x3FB1]  }
0x2f: {  	lr =	sadd.s32 s0, s3;
	s0 =	sld [smem:$0x3FA8]  }
0x30: {  	s3 =	sld [smem:$0x3FAB]  }
0x31: {  	[smem:$0x3FB4] =	sst s10  }
0x32: {  	s10 =	sld [smem:$0x3FB2];
	_ =	sdelay $0x3  }
0x33: {  	p0 =	seq.s32 s10, $0x1;
	s10 =	sld [smem:$0x3FB4];
	_ =	sdelay $0x3  }
0x34: {  	[smem:$0x3FB4] =	sst s10  }
0x35: {  	s10 =	sld [smem:$0x3FB3];
	_ =	sdelay $0x3  }
0x36: {  	p1 =	seq.s32 s10, $0x1;
	s10 =	sld [smem:$0x3FB4];
	_ =	sdelay $0x3  }
0x37: {  	[smem:$0x3FB4] =	sst s10  }
0x38: {  	s10 =	sld [smem:$0x3FB5]  }
0x39: {  	_ = 	snop;
	(pc) =	sbr.ind lr, $3  }
0x3a: {  	_ = 	snop  }
0x3b: {  	_ = 	snop  }
0x3c: {  	p2 =	seq.s32 s10, $0x1;
	s10 =	sld [smem:$0x3FB4]  }
0x3d: {  	_ =	shalt  }
0x3e: {  	_ =	shalt  }
0x3f: {  	_ =	shalt  }
0x40: {  	_ =	shalt  }
0x41: {  	_ =	shalt  }
0x42: {  	_ =	shalt  }
0x43: {  	_ =	shalt  }
0x44: {  	_ =	shalt  }
0x45: {  	_ =	shalt  }
0x46: {  	_ =	shalt  }
0x47: {  	_ =	shalt  }
0x48: {  	_ =	shalt  }
0x49: {  	_ =	shalt  }
0x4a: {  	_ =	shalt  }
0x4b: {  	_ =	shalt  }
0x4c: {  	_ =	shalt  }
0x4d: {  	_ =	shalt  }
0x4e: {  	_ =	shalt  }
0x4f: {  	_ =	shalt  }
0x50: {  	_ =	shalt  }
0x51: {  	_ =	shalt  }
0x52: {  	_ =	shalt  }
0x53: {  	_ =	shalt  }
0x54: {  	_ =	shalt  }
0x55: {  	_ =	shalt  }
0x56: {  	_ =	shalt  }
0x57: {  	_ =	shalt  }
0x58: {  	_ =	shalt  }
0x59: {  	_ =	shalt  }
0x5a: {  	_ =	shalt  }
0x5b: {  	_ =	shalt  }
0x5c: {  	_ =	shalt  }
0x5d: {  	_ =	shalt  }
0x5e: {  	_ =	shalt  }
0x5f: {  	_ =	shalt  }
0x60: {  	_ =	shalt  }
0x61: {  	_ =	shalt  }
0x62: {  	_ =	shalt  }
0x63: {  	_ =	shalt  }
0x64: {  	_ =	shalt  }
0x65: {  	_ =	shalt  }
0x66: {  	_ =	shalt  }
0x67: {  	_ =	shalt  }
0x68: {  	_ =	shalt  }
0x69: {  	_ =	shalt  }
0x6a: {  	_ =	shalt  }
0x6b: {  	_ =	shalt  }
0x6c: {  	_ =	shalt  }
0x6d: {  	_ =	shalt  }
0x6e: {  	_ =	shalt  }
0x6f: {  	_ =	shalt  }
0x70: {  	_ =	shalt  }
0x71: {  	_ =	shalt  }
0x72: {  	_ =	shalt  }
0x73: {  	_ =	shalt  }
0x74: {  	_ =	shalt  }
0x75: {  	_ =	shalt  }
0x76: {  	_ =	shalt  }
0x77: {  	_ =	shalt  }
0x78: {  	_ =	shalt  }
0x79: {  	_ =	shalt  }
0x7a: {  	_ =	shalt  }
0x7b: {  	_ =	shalt  }
0x7c: {  	_ =	shalt  }
0x7d: {  	_ =	shalt  }
0x7e: {  	_ =	shalt  }
0x7f: {  	_ =	shalt  }
0x80: {  	_ =	shalt  }
0x81: {  	_ =	shalt  }
0x82: {  	_ =	shalt  }
0x83: {  	_ =	shalt  }
0x84: {  	_ =	shalt  }
0x85: {  	_ =	shalt  }
0x86: {  	_ =	shalt  }
0x87: {  	_ =	shalt  }
.Lfunc_end0:
.L_simem_size_0:
called_computation_lowered:
.L_overlay_start_0:
0x88: {  	s2 =	sld [smem:$0x3FD9]  }
0x89: {  	s3 =	sld [smem:$0x3FFE];
	_ =	sdelay $0x1  }
0x8a: {  	s1 =	srdreg.scid  }
0x8b: {  	s0 =	sand.u32 $0x1, s1  }
0x8c: {  	s14 =	sshll.u32 s0, $0xA;
	s2 =	sadd.s32 s3, s2  }
0x8d: {  	s2 =	sadd.s32 s2, s14  }
0x8e: {  	[smem:$0x3FC0] =	sst s2  }
0x8f: {  	_ = 	snop  }
0x90: {  	s2 =	sld [smem:$0x3FC9]  }
0x91: {  	s15 =	sld [smem:$0x3FD0]  }
0x92: {  	s4 =	sld [smem:$0x3FC8]  }
0x93: {  	s5 =	sld [smem:$0x3FC7]  }
0x94: {  	s7 =	simm.s32 $0xA;
	s8 =	simm.s32 $0x10;
	s6 =	sld [smem:$0x3FC6]  }
0x95: {  	[smem:s8], [sflag:s7] =	dma.local [hbm:s15], $0x1  }
0x96: {  	_ =	swait.eq [sflag:s7], $0x1  }
0x97: {  	[sflag:s7] =	ssyncset.done $0x0  }
0x98: {  	[sflag:s7] =	ssyncadd.s32 $0xFFFFFFFF  }
0x99: {  	s16 =	sld [smem:$0x10];
	(tm) =	ssettm $0x1  }
0x9a: {  	s17 =	sld [smem:$0x3FFB];
	_ =	sdelay $0x3  }
0x9b: {  	_ =	strace s17  }
0x9c: {  	s7 =	sld [smem:$0x3FFC];
	_ =	sdelay $0x3  }
0x9d: {  	_ =	strace s7  }
0x9e: {  	s7 =	sld [smem:$0x3FFD];
	_ =	sdelay $0x3  }
0x9f: {  	_ =	strace s7  }
0xa0: {  	_ =	strace $0x8FFFFFFF  }
0xa1: {  	s18 =	sld [smem:$0x3FDB];
	_ =	sdelay $0x1  }
0xa2: {  	s19 =	simm.s32 $_scs_section_size  }
0xa3: {  	s9 =	simm.s32 $_size__tile_overlayer_lowered;
	s10 =	simm.s32 $_tile_overlayer_lowered  }
0xa4: {  	s22 =	simm.s32 $0x1BFF;
	s21 =	sshll.u32 s10, $0x1;
	s7 =	sadd.s32 s19, s18  }
0xa5: {  	s11 =	simm.s32 $0x0;
	s20 =	sshll.u32 s9, $0x1;
	s9 =	sadd.s32 s21, s7  }
0xa6: {  	[timem:s11], [sflag:s22] =	dma.local [hbm:s9], s20  }
0xa7: {  	_ =	swait.ge [sflag:s22], s20  }
0xa8: {  	s8 =	ssub.s32 $0x0, s20;
	[sflag:s22] =	ssyncset.done $0x0  }
0xa9: {  	[sflag:s22] =	ssyncadd.s32 s8;
	_ =	sdelay $0x1  }
0xaa: {  	s23 =	simm.s32 $0x1B8B  }
0xab: {  	_ =	swait.ge [sflag:s23], $0x1  }
0xac: {  	[sflag:s23] =	ssyncset.done $0x0  }
0xad: {  	s25 =	simm.s32 $0x1B8E;
	s24 =	sld [smem:$0x3FFE];
	[sflag:s23] =	ssyncadd.s32 $0xFFFFFFFF  }
0xae: {  	s26 =	simm.s32 $execute0_lowered;
	[smem:$0x3FD2] =	sst s25  }
0xaf: {  	s9 =	sshll.u32 s26, $0x1;
	_ =	strace $0x80000046;
	[dreg:$0x1] =	wrdreg $0xFFFFFFFF  }
0xb0: {  	s28 =	simm.s32 $_size_execute0_lowered;
	s7 =	sadd.s32 s7, s9;
	[dreg:$0x0] =	wrdreg $0x0  }
0xb1: {  	s9 =	sshll.u32 s28, $0x1;
	[dreg:$0x2] =	wrdreg s7  }
0xb2: {  	[dreg:$0x3] =	wrdreg s9  }
0xb3: {  	[dreg:$0x4] =	wrdreg $0xC0  }
0xb4: {  	_ =	task [dreg:s11], $0x5FFFF  }
0xb5: {  	[dreg:$0x1] =	wrdreg $0xFFFFFFFF  }
0xb6: {  	[dreg:$0x0] =	wrdreg $0x60  }
0xb7: {  	[dreg:$0x2] =	wrdreg s2  }
0xb8: {  	[dreg:$0x3] =	wrdreg s5  }
0xb9: {  	[dreg:$0x4] =	wrdreg s4  }
0xba: {  	[dreg:$0x5] =	wrdreg s6  }
0xbb: {  	[dreg:$0x6] =	wrdreg s24  }
0xbc: {  	[dreg:$0x7] =	wrdreg s16  }
0xbd: {  	[dreg:$0x8] =	wrdreg $0x9  }
0xbe: {  	_ =	task.clear_ibuf [dreg:s11], $0x9FFFF;
	_ =	strace $0x90000046  }
0xbf: {  	s29 =	simm.s32 $0x9;
	_ =	strace $0x80000048  }
0xc0: {  	_ =	swait.ge [sflag:s29], $0x1  }
0xc1: {  	[sflag:s29] =	ssyncadd.s32 $0xFFFFFFFF  }
0xc2: {  	_ =	strace $0x90000048  }
0xc3: {  	_ =	sfence  }
0xc4: {  	s30 =	sld [smem:$0x0];
	_ =	sdelay $0x2  }
0xc5: {  	s31 =	sshll.u32 s1, $0xD;
	s1 =	sshrl.u32 s1, $0x2  }
0xc6: {  	s3 =	sand.u32 $0x4000, s31;
	s1 =	sadd.s32 s1, s30  }
0xc7: {  	s0 =	sor.u32 s3, s0;
	s1 =	sshll.u32 s1, $0x11  }
0xc8: {  	s0 =	sor.u32 s1, s0  }
0xc9: {  	s0 =	sadd.s32 $0x8F2B, s0  }
0xca: {  	[sflag:s0] =	ssyncadd.remote.s32 $0x1  }
0xcb: {  	_ =	sfence.sel $0xFFFF  }
0xcc: {  	[dreg:$0x0] =	wrdreg $0xFFFFFFFF;
	(pc) =	sbr.abs _section_cstart, $3  }
0xcd: {  	[dreg:$0x1] =	wrdreg $0xFFFFFFFF  }
0xce: {  	_ =	task.clear_ibuf [dreg:s11], $0x2FFFF;
	_ =	strace $0x9FFFFFFF  }
0xcf: {  	(tm) =	ssettm $0x7FFFFFFF  }
tec
execute0_lowered:
.L_overlay_start_1:
0x0: {  	(tag) =	ssettag $0x1  }
0x1: {  	s7 =	rddreg [dreg:$0x0]  }
0x2: {  	s8 =	rddreg [dreg:$0x1]  }
0x3: {  	s9 =	rddreg [dreg:$0x2]  }
0x4: {  	s10 =	rddreg [dreg:$0x3]  }
0x5: {  	s11 =	rddreg [dreg:$0x4]  }
0x6: {  	s12 =	rddreg [dreg:$0x5]  }
0x7: {  	s0 =	rddreg [dreg:$0x6]  }
0x8: {  	s1 =	simm.s32 $0x0;
	s5 =	srdreg.scid;
	s2 =	stileid.u32  }
0x9: {  	s17 =	simm.s32 $0x600;
	s18 =	simm.s32 $0x4600;
	s19 =	simm.s32 $0x8600  }
0xa: {  	s20 =	simm.s32 $0xCA00;
	s21 =	simm.s32 $0xCA10;
	s22 =	simm.s32 $0x1  }
0xb: {  	s23 =	simm.s32 $0x2;
	s24 =	simm.s32 $0x3;
	s25 =	simm.s32 $0xC800  }
0xc: {  	s26 =	simm.s32 $0xCA20;
	s28 =	simm.s32 $0x0;
	[smem:$0x7FF] =	sst s1  }
0xd: {  	s3 =	sadd.s32 $0xF42A00, s11;
	s4 =	sadd.s32 $0x600, s11;
	s6 =	sand.u32 $0x1, s5  }
0xe: {  	s13 =	sshll.u32 s2, $0x1;
	s5 =	sadd.s32 $0x1800, s11;
	_ =	strace $0x80000047  }
0xf: {  	s13 =	sor.u32 s6, s13;
	s14 =	ssub.s32 $0x2, s6;
	s6 =	sadd.s32 $0x1600, s11  }
0x10: {  	s15 =	sshll.u32 s13, $0x1;
	s16 =	sshrl.u32 s14, $0x1;
	s31 =	sshll.u32 s13, $0x6  }
0x11: {  	s15 =	sadd.s32 s15, s11;
	s14 =	ssub.s32 s14, s16;
	s7 =	sadd.s32 s7, s31  }
0x12: {  	s8 =	sadd.s32 s8, s31;
	s9 =	sadd.s32 s9, s31;
	s10 =	sadd.s32 s10, s31  }
0x13: {  	v1 =	vlaneseq.u32;
	s11 =	sadd.s32 s12, s31;
	s16 =	simm.s32 $0x400;
	s12 =	sadd.s32 $0x1A00, s15  }
0x14: {  	v0 =	vimm.f32 $0.0e+00;
	v1 =	vmul.u32 $0x20, v1;
	s13 =	smax.u32 s14, $0x1;
	s14 =	simm.s32 $0x4;
	s15 =	simm.s32 $0x200  }
.LBB2_1:
0x15: {  	[tilespmem:s1], [sflag:$0x4] =	stream.linear.gather [hbm4b:s7+s1], $0x200, $0x38;
	[tilespmem:$0xCA30] =	vst v63  }
0x16: {  	_ =	swait.ge [sflag:s14], $0x200  }
0x17: {  	[sflag:s14] =	ssyncset.done $0x0  }
0x18: {  	[sflag:s14] =	ssyncadd.s32 $0xFFFFFE00  }
0x19: {  	[tilespmem:s15], [sflag:$0x4] =	stream.linear.gather [hbm4b:s8+s1], $0x200, $0x38;
	[tilespmem:$0xCA30] =	vst v63  }
0x1a: {  	_ =	swait.ge [sflag:s14], $0x200  }
0x1b: {  	[sflag:s14] =	ssyncset.done $0x0  }
0x1c: {  	[sflag:s14] =	ssyncadd.s32 $0xFFFFFE00  }
0x1d: {  	[tilespmem:s16], [sflag:$0x4] =	stream.linear.gather [hbm4b:s9+s1], $0x200, $0x38;
	[tilespmem:$0xCA30] =	vst v63  }
0x1e: {  	_ =	swait.ge [sflag:s14], $0x200  }
0x1f: {  	[sflag:s14] =	ssyncset.done $0x0  }
0x20: {  	[sflag:s14] =	ssyncadd.s32 $0xFFFFFE00  }
0x21: {  	[tilespmem:s17], [sflag:$0x1] =	stream.indirect.gather [hbm4b:s3+s15], $0x20, s1, s15, $0xb8;
	[tilespmem:$0xCA30] =	vst v63  }
0x22: {  	_ = 	snop  }
0x23: {  	[tilespmem:s18], [sflag:$0x2] =	stream.indirect.gather [hbm4b:s3+s15], $0x20, s15, s15, $0xb8;
	[tilespmem:$0xCA30] =	vst v63  }
0x24: {  	_ = 	snop  }
0x25: {  	[tilespmem:s19], [sflag:$0x3] =	stream.indirect.gather [hbm4b:s4+s15], $0x20, s16, s15, $0xb8;
	[tilespmem:$0xCA30] =	vst v63  }
0x26: {  	s29 =	simm.s32 $0xC600  }
0x27: {  	[tilespmem:s29], [sflag:$0x4] =	stream.linear.gather [hbm4b:s10+s1], $0x200, $0x38;
	[tilespmem:$0xCA30] =	vst v63  }
0x28: {  	_ =	swait.ge [sflag:s14], $0x200  }
0x29: {  	[sflag:s14] =	ssyncset.done $0x0  }
0x2a: {  	[sflag:s14] =	ssyncadd.s32 $0xFFFFFE00  }
0x2b: {  	[tilespmem:s20], [sflag:$0x4] =	stream.linear.gather [hbm4b:s5+s1], $0x10, $0x38;
	[tilespmem:$0xCA30] =	vst v63  }
0x2c: {  	_ =	swait.ge [sflag:s14], $0x10  }
0x2d: {  	[sflag:s14] =	ssyncset.done $0x0  }
0x2e: {  	[sflag:s14] =	ssyncadd.s32 $0xFFFFFFF0  }
0x2f: {  	[tilespmem:s21], [sflag:$0x4] =	stream.linear.gather [hbm4b:s6+s1], $0x10, $0x38;
	[tilespmem:$0xCA30] =	vst v63  }
0x30: {  	_ =	swait.ge [sflag:s14], $0x10  }
0x31: {  	[sflag:s14] =	ssyncset.done $0x0  }
0x32: {  	[sflag:s14] =	ssyncadd.s32 $0xFFFFFFF0  }
0x33: {  	_ =	swait.ge [sflag:s22], $0x4000  }
0x34: {  	[sflag:s22] =	ssyncset.done $0x0  }
0x35: {  	[sflag:s22] =	ssyncadd.s32 $0xFFFFC000  }
0x36: {  	_ =	swait.ge [sflag:s23], $0x4000  }
0x37: {  	[sflag:s23] =	ssyncset.done $0x0  }
0x38: {  	[sflag:s23] =	ssyncadd.s32 $0xFFFFC000  }
0x39: {  	_ =	swait.ge [sflag:s24], $0x4000  }
0x3a: {  	[sflag:s24] =	ssyncset.done $0x0  }
0x3b: {  	[sflag:s24] =	ssyncadd.s32 $0xFFFFC000  }
0x3c: {  	s30 =	simm.s32 $0xC800;
	s31 =	simm.s32 $0x0;
	[tilespmem:$0xCA20] =	vst v0  }
.LBB2_2:
0x3d: {  	v2 =	vmov s31  }
0x3e: {  	v2 =	vshll.u32 v2, $0x5  }
0x3f: {  	v2 =	vor.u32 v1, v2;
	_ =	sdelay $0x2  }
0x40: {  	v3 =	vor.u32 $0x1, v2;
	_ =	sdelay $0x1  }
0x41: {  	v4 =	vld.idx.msk [tilespmem:v2+s17+$0x0], $0xffff  }
0x42: {  	v6 =	vor.u32 $0x2, v2;
	v5 =	vld.idx.msk [tilespmem:v2+s18+$0x0], $0xffff  }
0x43: {  	v7 =	vld.idx.msk [tilespmem:v2+s19+$0x0], $0xffff  }
0x44: {  	v8 =	vld.idx.msk [tilespmem:v3+s17+$0x0], $0xffff  }
0x45: {  	v10 =	vor.u32 $0x3, v2;
	v9 =	vld.idx.msk [tilespmem:v3+s18+$0x0], $0xffff  }
0x46: {  	v3 =	vld.idx.msk [tilespmem:v3+s19+$0x0], $0xffff  }
0x47: {  	v11 =	vld.idx.msk [tilespmem:v6+s17+$0x0], $0xffff  }
0x48: {  	v13 =	vor.u32 $0x4, v2;
	v12 =	vld.idx.msk [tilespmem:v6+s18+$0x0], $0xffff  }
0x49: {  	v6 =	vld.idx.msk [tilespmem:v6+s19+$0x0], $0xffff  }
0x4a: {  	v14 =	vld.idx.msk [tilespmem:v10+s17+$0x0], $0xffff  }
0x4b: {  	v16 =	vor.u32 $0x5, v2;
	v15 =	vld.idx.msk [tilespmem:v10+s18+$0x0], $0xffff  }
0x4c: {  	v10 =	vld.idx.msk [tilespmem:v10+s19+$0x0], $0xffff  }
0x4d: {  	v17 =	vld.idx.msk [tilespmem:v13+s17+$0x0], $0xffff  }
0x4e: {  	v19 =	vor.u32 $0x6, v2;
	v18 =	vld.idx.msk [tilespmem:v13+s18+$0x0], $0xffff  }
0x4f: {  	v13 =	vld.idx.msk [tilespmem:v13+s19+$0x0], $0xffff  }
0x50: {  	v20 =	vld.idx.msk [tilespmem:v16+s17+$0x0], $0xffff  }
0x51: {  	v22 =	vor.u32 $0x7, v2;
	v21 =	vld.idx.msk [tilespmem:v16+s18+$0x0], $0xffff  }
0x52: {  	v16 =	vld.idx.msk [tilespmem:v16+s19+$0x0], $0xffff  }
0x53: {  	v23 =	vld.idx.msk [tilespmem:v19+s17+$0x0], $0xffff  }
0x54: {  	v25 =	vor.u32 $0x8, v2;
	v24 =	vld.idx.msk [tilespmem:v19+s18+$0x0], $0xffff  }
0x55: {  	v19 =	vld.idx.msk [tilespmem:v19+s19+$0x0], $0xffff  }
0x56: {  	v26 =	vld.idx.msk [tilespmem:v22+s17+$0x0], $0xffff  }
0x57: {  	v28 =	vor.u32 $0x9, v2;
	v27 =	vld.idx.msk [tilespmem:v22+s18+$0x0], $0xffff  }
0x58: {  	v22 =	vld.idx.msk [tilespmem:v22+s19+$0x0], $0xffff  }
0x59: {  	v29 =	vld.idx.msk [tilespmem:v25+s17+$0x0], $0xffff  }
0x5a: {  	v31 =	vor.u32 $0xA, v2;
	v30 =	vld.idx.msk [tilespmem:v25+s18+$0x0], $0xffff  }
0x5b: {  	v36 =	vor.u32 $0xC, v2;
	v25 =	vld.idx.msk [tilespmem:v25+s19+$0x0], $0xffff  }
0x5c: {  	v37 =	vor.u32 $0xD, v2;
	v32 =	vld.idx.msk [tilespmem:v28+s17+$0x0], $0xffff  }
0x5d: {  	v40 =	vor.u32 $0xE, v2;
	v33 =	vld.idx.msk [tilespmem:v28+s18+$0x0], $0xffff  }
0x5e: {  	v28 =	vld.idx.msk [tilespmem:v28+s19+$0x0], $0xffff  }
0x5f: {  	v43 =	vor.u32 $0xF, v2;
	v35 =	vld.idx.msk [tilespmem:v31+s17+$0x0], $0xffff  }
0x60: {  	v48 =	vor.u32 $0x10, v2;
	v39 =	vld.idx.msk [tilespmem:v36+s18+$0x0], $0xffff  }
0x61: {  	v42 =	vld.idx.msk [tilespmem:v37+s18+$0x0], $0xffff  }
0x62: {  	v53 =	vor.u32 $0x11, v2;
	v46 =	vld.idx.msk [tilespmem:v40+s17+$0x0], $0xffff  }
0x63: {  	v47 =	vld.idx.msk [tilespmem:v40+s18+$0x0], $0xffff  }
0x64: {  	v52 =	vld.idx.msk [tilespmem:v43+s18+$0x0], $0xffff  }
0x65: {  	v34 =	vor.u32 $0xB, v2;
	v55 =	vld.idx.msk [tilespmem:v48+s17+$0x0], $0xffff  }
0x66: {  	v57 =	vld.idx.msk [tilespmem:v48+s18+$0x0], $0xffff;
	v4 =	vmul.f32 v5, v4  }
0x67: {  	v61 =	vld.idx.msk [tilespmem:v53+s17+$0x0], $0xffff  }
0x68: {  	v5 =	vld.idx.msk [tilespmem:v31+s18+$0x0], $0xffff;
	v62 =	vmul.f32 v9, v8;
	v4 =	vmul.f32 v7, v4  }
0x69: {  	v31 =	vld.idx.msk [tilespmem:v31+s19+$0x0], $0xffff  }
0x6a: {  	v8 =	vld.idx.msk [tilespmem:v34+s17+$0x0], $0xffff;
	v63 =	vmul.f32 v12, v11;
	v3 =	vmul.f32 v3, v62;
	v4 =	vadd.f32 $0.0e+00, v4  }
0x6b: {  	v9 =	vld.idx.msk [tilespmem:v34+s18+$0x0], $0xffff  }
0x6c: {  	v11 =	vld.idx.msk [tilespmem:v34+s19+$0x0], $0xffff;
	v14 =	vmul.f32 v15, v14;
	v38 =	vmul.f32 v6, v63;
	v3 =	vadd.f32 v3, v4  }
0x6d: {  	v58 =	vor.u32 $0x12, v2;
	v12 =	vld.idx.msk [tilespmem:v36+s17+$0x0], $0xffff  }
0x6e: {  	v15 =	vld.idx.msk [tilespmem:v36+s19+$0x0], $0xffff;
	v41 =	vmul.f32 v18, v17;
	v10 =	vmul.f32 v10, v14;
	v3 =	vadd.f32 v38, v3  }
0x6f: {  	v34 =	vld.idx.msk [tilespmem:v37+s19+$0x0], $0xffff  }
0x70: {  	v45 =	vmul.f32 v21, v20;
	v18 =	vld.idx.msk [tilespmem:v43+s19+$0x0], $0xffff;
	v44 =	vmul.f32 v13, v41;
	v3 =	vadd.f32 v10, v3  }
0x71: {  	v50 =	vmul.f32 v24, v23;
	v21 =	vld.idx.msk [tilespmem:v48+s19+$0x0], $0xffff  }
0x72: {  	v60 =	vmul.f32 v33, v32;
	v33 =	vld.idx.msk [tilespmem:v58+s17+$0x0], $0xffff;
	v49 =	vmul.f32 v16, v45;
	v3 =	vadd.f32 v44, v3  }
0x73: {  	v7 =	vld.idx.msk [tilespmem:v40+s19+$0x0], $0xffff  }
0x74: {  	v54 =	vmul.f32 v27, v26;
	v16 =	vld.idx.msk [tilespmem:v43+s17+$0x0], $0xffff;
	v51 =	vmul.f32 v19, v50;
	v3 =	vadd.f32 v49, v3  }
0x75: {  	v36 =	vor.u32 $0x14, v2;
	v62 =	vld.idx.msk [tilespmem:v53+s18+$0x0], $0xffff  }
0x76: {  	v56 =	vmul.f32 v30, v29;
	v22 =	vmul.f32 v22, v54;
	v19 =	vld.idx.msk [tilespmem:v53+s19+$0x0], $0xffff;
	v3 =	vadd.f32 v51, v3  }
0x77: {  	v40 =	vor.u32 $0x15, v2;
	v5 =	vmul.f32 v5, v35;
	v35 =	vld.idx.msk [tilespmem:v58+s18+$0x0], $0xffff  }
0x78: {  	v59 =	vmul.f32 v25, v56;
	v4 =	vld.idx.msk [tilespmem:v37+s17+$0x0], $0xffff;
	v3 =	vadd.f32 v22, v3  }
0x79: {  	v63 =	vor.u32 $0x13, v2;
	v37 =	vld.idx.msk [tilespmem:v58+s19+$0x0], $0xffff  }
0x7a: {  	v32 =	vmul.f32 v28, v60;
	v43 =	vld.idx.msk [tilespmem:v36+s18+$0x0], $0xffff;
	v3 =	vadd.f32 v59, v3  }
0x7b: {  	v45 =	vmul.f32 v47, v46;
	v50 =	vor.u32 $0x17, v2;
	v46 =	vld.idx.msk [tilespmem:v36+s19+$0x0], $0xffff  }
0x7c: {  	v8 =	vmul.f32 v9, v8;
	v5 =	vmul.f32 v31, v5;
	v47 =	vld.idx.msk [tilespmem:v40+s17+$0x0], $0xffff;
	v3 =	vadd.f32 v32, v3  }
0x7d: {  	v6 =	vmul.f32 v39, v12;
	v12 =	vld.idx.msk [tilespmem:v40+s19+$0x0], $0xffff  }
0x7e: {  	v53 =	vor.u32 $0x18, v2;
	v38 =	vld.idx.msk [tilespmem:v63+s17+$0x0], $0xffff;
	v8 =	vmul.f32 v11, v8;
	v3 =	vadd.f32 v5, v3  }
0x7f: {  	v39 =	vld.idx.msk [tilespmem:v63+s18+$0x0], $0xffff  }
0x80: {  	v41 =	vld.idx.msk [tilespmem:v63+s19+$0x0], $0xffff;
	v6 =	vmul.f32 v15, v6;
	v4 =	vmul.f32 v42, v4;
	v3 =	vadd.f32 v8, v3  }
0x81: {  	v56 =	vld.idx.msk [tilespmem:v50+s18+$0x0], $0xffff  }
0x82: {  	v48 =	vmul.f32 v7, v45;
	v7 =	vld.idx.msk [tilespmem:v50+s19+$0x0], $0xffff;
	v4 =	vmul.f32 v34, v4;
	v3 =	vadd.f32 v6, v3  }
0x83: {  	v54 =	vmul.f32 v62, v61;
	v60 =	vld.idx.msk [tilespmem:v53+s17+$0x0], $0xffff;
	v62 =	vor.u32 $0x1A, v2  }
0x84: {  	v13 =	vmul.f32 v52, v16;
	v61 =	vld.idx.msk [tilespmem:v53+s18+$0x0], $0xffff;
	v3 =	vadd.f32 v4, v3  }
0x85: {  	v63 =	vld.idx.msk [tilespmem:v53+s19+$0x0], $0xffff;
	v10 =	vmul.f32 v57, v55;
	v57 =	vor.u32 $0x19, v2  }
0x86: {  	v13 =	vmul.f32 v18, v13;
	v55 =	vld.idx.msk [tilespmem:v50+s17+$0x0], $0xffff;
	v3 =	vadd.f32 v48, v3  }
0x87: {  	v42 =	vld.idx.msk [tilespmem:v36+s17+$0x0], $0xffff;
	v44 =	vor.u32 $0x16, v2  }
0x88: {  	v10 =	vmul.f32 v21, v10;
	v36 =	vld.idx.msk [tilespmem:v62+s19+$0x0], $0xffff;
	v3 =	vadd.f32 v13, v3  }
0x89: {  	v49 =	vld.idx.msk [tilespmem:v40+s18+$0x0], $0xffff  }
0x8a: {  	v58 =	vmul.f32 v19, v54;
	v27 =	vld.idx.msk [tilespmem:v57+s17+$0x0], $0xffff;
	v59 =	vmul.f32 v35, v33;
	v3 =	vadd.f32 v10, v3  }
0x8b: {  	v34 =	vor.u32 $0x1C, v2;
	v28 =	vld.idx.msk [tilespmem:v57+s18+$0x0], $0xffff  }
0x8c: {  	v51 =	vld.idx.msk [tilespmem:v44+s17+$0x0], $0xffff;
	v9 =	vmul.f32 v37, v59;
	v5 =	vmul.f32 v39, v38;
	v3 =	vadd.f32 v58, v3  }
0x8d: {  	v29 =	vor.u32 $0x1B, v2;
	v52 =	vld.idx.msk [tilespmem:v44+s18+$0x0], $0xffff  }
0x8e: {  	v30 =	vld.idx.msk [tilespmem:v57+s19+$0x0], $0xffff;
	v5 =	vmul.f32 v41, v5;
	v8 =	vmul.f32 v43, v42;
	v3 =	vadd.f32 v9, v3  }
0x8f: {  	v17 =	vld.idx.msk [tilespmem:v44+s19+$0x0], $0xffff;
	v44 =	vor.u32 $0x1E, v2  }
0x90: {  	v45 =	vld.idx.msk [tilespmem:v34+s19+$0x0], $0xffff;
	v31 =	vmul.f32 v46, v8;
	v6 =	vmul.f32 v49, v47;
	v3 =	vadd.f32 v5, v3  }
0x91: {  	v33 =	vld.idx.msk [tilespmem:v62+s18+$0x0], $0xffff  }
0x92: {  	v32 =	vld.idx.msk [tilespmem:v62+s17+$0x0], $0xffff;
	v35 =	vmul.f32 v12, v6;
	v4 =	vmul.f32 v52, v51;
	v3 =	vadd.f32 v31, v3  }
0x93: {  	v40 =	vmul.f32 v56, v55;
	v37 =	vld.idx.msk [tilespmem:v29+s17+$0x0], $0xffff  }
0x94: {  	v53 =	vld.idx.msk [tilespmem:v44+s19+$0x0], $0xffff;
	v39 =	vor.u32 $0x1D, v2;
	v4 =	vmul.f32 v17, v4;
	v3 =	vadd.f32 v35, v3  }
0x95: {  	v38 =	vld.idx.msk [tilespmem:v29+s18+$0x0], $0xffff  }
0x96: {  	v7 =	vmul.f32 v7, v40;
	v41 =	vld.idx.msk [tilespmem:v29+s19+$0x0], $0xffff;
	v10 =	vmul.f32 v61, v60;
	v3 =	vadd.f32 v4, v3  }
0x97: {  	v42 =	vld.idx.msk [tilespmem:v34+s17+$0x0], $0xffff  }
0x98: {  	v43 =	vld.idx.msk [tilespmem:v34+s18+$0x0], $0xffff;
	v46 =	vmul.f32 v63, v10;
	v9 =	vmul.f32 v28, v27;
	v3 =	vadd.f32 v7, v3  }
0x99: {  	v2 =	vor.u32 $0x1F, v2;
	v47 =	vld.idx.msk [tilespmem:v39+s17+$0x0], $0xffff  }
0x9a: {  	v8 =	vmul.f32 v33, v32;
	v50 =	vld.idx.msk [tilespmem:v39+s19+$0x0], $0xffff;
	v49 =	vmul.f32 v30, v9;
	v3 =	vadd.f32 v46, v3  }
0x9b: {  	v48 =	vld.idx.msk [tilespmem:v39+s18+$0x0], $0xffff  }
0x9c: {  	v51 =	vld.idx.msk [tilespmem:v44+s17+$0x0], $0xffff;
	v6 =	vmul.f32 v36, v8;
	v5 =	vmul.f32 v38, v37;
	v3 =	vadd.f32 v49, v3  }
0x9d: {  	v52 =	vld.idx.msk [tilespmem:v44+s18+$0x0], $0xffff  }
0x9e: {  	v54 =	vld.idx.msk [tilespmem:v2+s17+$0x0], $0xffff;
	v5 =	vmul.f32 v41, v5;
	v4 =	vmul.f32 v43, v42;
	v3 =	vadd.f32 v6, v3  }
0x9f: {  	v55 =	vld.idx.msk [tilespmem:v2+s18+$0x0], $0xffff  }
0xa0: {  	v56 =	vmul.f32 v48, v47;
	v4 =	vmul.f32 v45, v4;
	v3 =	vadd.f32 v5, v3  }
0xa1: {  	v2 =	vld.idx.msk [tilespmem:v2+s19+$0x0], $0xffff  }
0xa2: {  	v58 =	vmul.f32 v52, v51;
	v57 =	vmul.f32 v50, v56;
	v3 =	vadd.f32 v4, v3;
	_ =	sdelay $0x1  }
0xa3: {  	v60 =	vmul.f32 v55, v54;
	v59 =	vmul.f32 v53, v58;
	v3 =	vadd.f32 v57, v3  }
0xa4: {  	v61 =	vld [tilespmem:$0xCA00]  }
0xa5: {  	v2 =	vmul.f32 v2, v60;
	v3 =	vadd.f32 v59, v3  }
0xa6: {  	v62 =	vld [tilespmem:$0xCA10]  }
0xa7: {  	v2 =	vadd.f32 v2, v3;
	_ =	sdelay $0x1  }
0xa8: {  	v2 =	vmul.f32 v2, v61;
	_ =	sdelay $0x1  }
0xa9: {  	v2 =	vadd.f32 v2, v62;
	_ =	sdelay $0x1  }
0xaa: {  	v2 =	vsub.f32 $0.0e+00, v2;
	_ =	sdelay $0x1  }
0xab: {  	v2 =	vmul.f32 $1.442695020e+00, v2;
	_ =	sdelay $0x1  }
0xac: {  	(erf) = vpow2.f32 v2;
	_ =	sdelay $0x8  }
0xad: {  	v2 =	vpop (erf)  }
0xae: {  	v2 =	vadd.f32 $1.000000000e+00, v2;
	_ =	sdelay $0x1  }
0xaf: {  	(erf) = vrcp.f32 v2;
	_ =	sdelay $0x8  }
0xb0: {  	v2 =	vpop (erf)  }
0xb1: {  	[tilespmem:s30+$0x0] =	vst v2  }
0xb2: {  	v3 =	vld [tilespmem:s29+$0x0];
	_ =	sdelay $0x3  }
0xb3: {  	v63 =	vld [tilespmem:$0xCA20]  }
0xb4: {  	v2 =	vsub.f32 v2, v3  }
0xb5: {  	p0 =	sne.s32 s31, $0x1F0  }
.Ltmp0:
0xb6: {  	v2 =	vmul.f32 v2, v2;
	(pc) =	sbr.rel @p0 .LBB2_2-.Ltmp0, $3  }
0xb7: {  	_ = 	snop  }
0xb8: {  	v2 =	vadd.f32 v2, v63;
	_ =	sdelay $0x1  }
0xb9: {  	s31 =	sadd.s32 $0x10, s31;
	s30 =	sadd.s32 $0x10, s30;
	s29 =	sadd.s32 $0x10, s29;
	[tilespmem:$0xCA20] =	vst v2  }
0xba: {  	[hbm4b:s11+s1] =	stream.linear.scatter [tilespmem:s25], [sflag:$0x4], $0x200, $0x38;
	[tilespmem:$0xCA30] =	vst v63  }
0xbb: {  	s28 =	sadd.s32 $0x1, s28;
	_ =	swait.ge [sflag:s14], $0x200  }
0xbc: {  	p0 =	sne.s32 s28, s13;
	[sflag:s14] =	ssyncset.done $0x0  }
.Ltmp1:
0xbd: {  	[sflag:s14] =	ssyncadd.s32 $0xFFFFFE00;
	(pc) =	sbr.rel @p0 .LBB2_1-.Ltmp1, $4  }
0xbe: {  	[hbm4b:s12+s1] =	stream.linear.scatter [tilespmem:s26], [sflag:$0x4], $0x10, $0x38;
	[tilespmem:$0xCA30] =	vst v63  }
0xbf: {  	_ =	swait.ge [sflag:s14], $0x10  }
0xc0: {  	[sflag:s14] =	ssyncset.done $0x0  }
0xc1: {  	[sflag:s14] =	ssyncadd.s32 $0xFFFFFFF0  }
0xc2: {  	_ =	sfence.sel $0x180000  }
0xc3: {  	[bflag:$0x0] =	sbarrier.arrive $0xFFFF  }
0xc4: {  	p0 =	sne.s32 s2, $0x0;
	_ =	strace $0x90000047  }
0xc5: {  	s0 =	sadd.s32 @!p0 $0x100000, s0;
	[bflag:$0x2] =	sbarrier.arrive $0xFFFF  }
0xc6: {  	[sflag:s0] =	ssyncadd.tile.s32 @!p0 $0x1;
	_ =	shalt  }
.Lfunc_end2:
_tile_overlayer_lowered:
.L_overlay_start_2:
0xc7: {  	(tag) =	ssettag $0x2  }
0xc8: {  	s0 =	rddreg [dreg:$0x0];
	s2 =	stileid.u32  }
0xc9: {  	s1 =	rddreg [dreg:$0x1];
	p0 =	sne.s32 s2, $0x0  }
0xca: {  	s3 =	rddreg [dreg:$0x2];
	[bflag:$0x3] =	sbarrier.arrive $0xFFFF;
	s2 =	simm.s32 @!p0 $0x1C04  }
0xcb: {  	[timem:s3], [sflag:s2] =	dma.local @!p0 [hbm:s0], s1  }
0xcc: {  	s0 =	simm.s32 @!p0 $0x4  }
0xcd: {  	_ =	swait.ge @!p0 [sflag:s0], s1  }
0xce: {  	s1 =	ssub.s32 @!p0 $0x0, s1;
	[sflag:s0] =	ssyncset.done @!p0 $0x0  }
0xcf: {  	[sflag:s0] =	ssyncadd.s32 @!p0 s1  }
0xd0: {  	[bflag:$0x3] =	sbarrier.arrive $0xFFFF  }
0xd1: {  	_ =	shalt  }

</sc_bundles>
